<compile_context>
chip_gen: v7x
topology: tpu7x:2x2x1
jax: 0.10.2.dev20260603
libtpu: 0.0.44.dev20260713+nightly
codegen_flags: <defaults>
</compile_context>

<pallas_src>
import functools

import jax
import jax.numpy as jnp
from jax import lax
from jax.experimental import pallas as pl
from jax.experimental.pallas import tpu as pltpu
from jax.experimental.pallas import tpu_sc as plsc

BATCH = 16384
NUM_FIELDS = 26
FIELD_SIZE = 100000

NC = 2
NS = 16
NW = NC * NS
B_PER_W = BATCH // NW
N_IDX = B_PER_W * NUM_FIELDS


def _build_body(x_ref, idx_ref, x_v, idx_v):
    wid = lax.axis_index("s") * NC + lax.axis_index("c")
    base = wid * N_IDX

    pltpu.sync_copy(x_ref.at[pl.ds(base, N_IDX)], x_v)

    lanes26 = lax.iota(jnp.int32, 16) * NUM_FIELDS

    def build(t, _):
        f = t // (B_PER_W // 16)
        c2 = t % (B_PER_W // 16)
        xpos = lanes26 + (c2 * 16 * NUM_FIELDS + f)
        xv = plsc.load_gather(x_v, [xpos])
        idx_v[pl.ds(t * 16, 16)] = xv + f * FIELD_SIZE
        return 0

    lax.fori_loop(0, NUM_FIELDS * (B_PER_W // 16), build, 0, unroll=4)

    pltpu.sync_copy(idx_v, idx_ref.at[pl.ds(wid * N_IDX, N_IDX)])


def _gather_body(idx_ref, table_ref, out_ref, idx_v, rows_v, out_v, sem):
    wid = lax.axis_index("s") * NC + lax.axis_index("c")

    pltpu.sync_copy(idx_ref.at[pl.ds(wid * N_IDX, N_IDX)], idx_v)

    pltpu.async_copy(table_ref.at[idx_v], rows_v, sem).wait()

    def reduce_chunk(c2, _):
        def add_f(f, acc):
            q = f * B_PER_W + c2 * 16
            return acc + plsc.bitcast(rows_v[pl.ds(q, 16)], jnp.float32)

        acc = lax.fori_loop(
            0, NUM_FIELDS, add_f, jnp.zeros((16,), jnp.float32), unroll=4
        )
        out_v[pl.ds(c2 * 16, 16)] = acc
        return 0

    lax.fori_loop(0, B_PER_W // 16, reduce_chunk, 0)

    pltpu.sync_copy(out_v, out_ref.at[pl.ds(wid * B_PER_W, B_PER_W)])


@jax.jit
def kernel(x, table, bias):
    mesh = plsc.VectorSubcoreMesh(core_axis_name="c", subcore_axis_name="s")
    params = pltpu.CompilerParams(
        needs_layout_passes=False, use_tc_tiling_on_sc=False
    )
    build = pl.kernel(
        _build_body,
        out_type=jax.ShapeDtypeStruct((BATCH * NUM_FIELDS,), jnp.int32),
        mesh=mesh,
        compiler_params=params,
        scratch_types=[
            pltpu.VMEM((N_IDX,), jnp.int32),
            pltpu.VMEM((N_IDX,), jnp.int32),
        ],
    )
    gather = pl.kernel(
        _gather_body,
        out_type=jax.ShapeDtypeStruct((BATCH,), jnp.float32),
        mesh=mesh,
        compiler_params=params,
        scratch_types=[
            pltpu.VMEM((N_IDX,), jnp.int32),
            pltpu.VMEM((N_IDX,), jnp.int32),
            pltpu.VMEM((B_PER_W,), jnp.float32),
            pltpu.SemaphoreType.DMA,
        ],
    )
    idx = build(x.reshape(-1))
    tab_i = lax.bitcast_convert_type(table, jnp.int32).reshape(-1)
    out = gather(idx, tab_i)
    return out.reshape(BATCH, 1) + bias[None, :]

# --- scband reference (transcript-rebuilt; emitter-appended) ---
"""Pipeline reference for scband-features-linear-18133351924095 (READ-ONLY COPY).

The authoritative reference and input builder live on the scoring server;
editing this copy changes nothing except your own understanding.
"""

import jax, jax.numpy as jnp
import numpy as np

FIELD_DIMS = [100000] * 26
OUTPUT_DIM = 1
BATCH = 16384

def setup_inputs(seed: int = 0) -> dict:
    key = jax.random.key(seed)
    k1, k2 = jax.random.split(key)
    x = jax.random.randint(k1, (BATCH, len(FIELD_DIMS)), 0, 100000, dtype=jnp.int64 if jax.config.jax_enable_x64 else jnp.int32)
    x = x.astype(jnp.int32)
    table = jax.random.normal(k2, (sum(FIELD_DIMS), OUTPUT_DIM), dtype=jnp.float32)
    bias = jnp.zeros((OUTPUT_DIM,), dtype=jnp.float32)
    return {"x": x, "table": table, "bias": bias}

def reference(x, table, bias):
    offsets = jnp.asarray(np.array((0, *np.cumsum(FIELD_DIMS)[:-1]), dtype=np.int64), dtype=x.dtype)
    idx = x + offsets[None, :]
    emb = jnp.take(table, idx, axis=0)  # (B, F, output_dim)
    return jnp.sum(emb, axis=1) + bias

if __name__ == "__main__":
    import jax
    _d = setup_inputs()
    print(jax.jit(kernel)(*tuple(_d.values())))

</pallas_src>

<mosaic_0001>
#map = affine_map<(d0, d1) -> (0)>
module attributes {stable_mosaic.version = 14 : i64} {
  func.func @_build_body(%arg0: i32, %arg1: i32, %arg2: memref<425984xi32, #tpu.memory_space<hbm>>, %arg3: memref<425984xi32, #tpu.memory_space<hbm>>, %arg4: memref<13312xi32, #tpu.memory_space<vmem>>, %arg5: memref<13312xi32, #tpu.memory_space<vmem>>) attributes {dimension_semantics = [#tpu.dimension_semantics<core_parallel>, #tpu.dimension_semantics<subcore_parallel>], iteration_bounds = array<i64: 2, 16>, scalar_prefetch = 0 : i64, scratch_operands = 2 : i64, tpu.core_type = #tpu.core_type<sc_vector_subcore>, window_params = [{transform_indices = #map}, {transform_indices = #map}]} {
    %mul3A = arith.constant 2 : i32
    %mul3A_0 = arith.muli %arg1, %mul3A : i32
    %add3A = arith.addi %mul3A_0, %arg0 : i32
    %mul3A_1 = arith.constant 13312 : i32
    %mul3A_2 = arith.muli %add3A, %mul3A_1 : i32
    "tpu.region"() ({
      %run_scoped3A = tpu.sem_alloc : memref<!tpu.dma_semaphore, #tpu.memory_space<semaphore_mem>>
      %dma_start3A = tpu.memref_slice %arg2[%mul3A_2] : memref<425984xi32, #tpu.memory_space<hbm>> -> memref<13312xi32, #tpu.memory_space<hbm>>
      %dma_start3A_14 = tpu.memref_slice %arg2[%mul3A_2] : memref<425984xi32, #tpu.memory_space<hbm>> -> memref<13312xi32, #tpu.memory_space<hbm>>
      tpu.enqueue_dma source(%dma_start3A_14 : memref<13312xi32, #tpu.memory_space<hbm>>) target(%arg4 : memref<13312xi32, #tpu.memory_space<vmem>>) target_semaphore(%run_scoped3A : memref<!tpu.dma_semaphore, #tpu.memory_space<semaphore_mem>>)
      %dma_wait3A = tpu.memref_slice %arg2[%mul3A_2] : memref<425984xi32, #tpu.memory_space<hbm>> -> memref<13312xi32, #tpu.memory_space<hbm>>
      %dma_wait3A_15 = tpu.memref_slice %arg2[%mul3A_2] : memref<425984xi32, #tpu.memory_space<hbm>> -> memref<13312xi32, #tpu.memory_space<hbm>>
      tpu.wait_dma2 semaphore(%run_scoped3A : memref<!tpu.dma_semaphore, #tpu.memory_space<semaphore_mem>>) src(%dma_wait3A_15 : memref<13312xi32, #tpu.memory_space<hbm>>) dst(%arg4 : memref<13312xi32, #tpu.memory_space<vmem>>)
      tpu.yield
    }) : () -> ()
    %iota3A = tpu.iota {dimensions = array<i32: 0>} : vector<16xi32>
    %mul3A_3 = arith.constant 26 : i32
    %mul3A_4 = vector.broadcast %mul3A_3 : i32 to vector<16xi32>
    %mul3A_5 = arith.muli %iota3A, %mul3A_4 : vector<16xi32>
    %scan3A = arith.constant 0 : i32
    %scan3A_6 = arith.constant 0 : i32
    %scan3A_7 = arith.constant 832 : i32
    %scan3A_8 = arith.addi %scan3A_6, %scan3A_7 : i32
    %scan3A_9 = arith.constant 4 : i32
    %scan3A_10 = scf.for %scan3A_14 = %scan3A_6 to %scan3A_8 step %scan3A_9 iter_args(%scan3A_15 = %scan3A) -> (i32)  : i32 {
      %jit3A = arith.constant 32 : i32
      %div3A = arith.divsi %scan3A_14, %jit3A : i32
      %sign3A = arith.constant 0 : i32
      %sign3A_16 = arith.cmpi sgt, %scan3A_14, %sign3A : i32
      %sign3A_17 = arith.extui %sign3A_16 : i1 to i32
      %sign3A_18 = arith.constant 0 : i32
      %sign3A_19 = arith.cmpi slt, %scan3A_14, %sign3A_18 : i32
      %sign3A_20 = arith.extui %sign3A_19 : i1 to i32
      %sign3A_21 = arith.subi %sign3A_17, %sign3A_20 : i32
      %sign3A_22 = arith.constant 0 : i32
      %sign3A_23 = arith.cmpi sgt, %jit3A, %sign3A_22 : i32
      %sign3A_24 = arith.extui %sign3A_23 : i1 to i32
      %sign3A_25 = arith.constant 0 : i32
      %sign3A_26 = arith.cmpi slt, %jit3A, %sign3A_25 : i32
      %sign3A_27 = arith.extui %sign3A_26 : i1 to i32
      %sign3A_28 = arith.subi %sign3A_24, %sign3A_27 : i32
      %ne3A = arith.cmpi ne, %sign3A_21, %sign3A_28 : i32
      %rem3A = arith.remsi %scan3A_14, %jit3A : i32
      %ne3A_29 = arith.constant 0 : i32
      %ne3A_30 = arith.cmpi ne, %rem3A, %ne3A_29 : i32
      %and3A = arith.andi %ne3A, %ne3A_30 : i1
      %sub3A = arith.constant 1 : i32
      %sub3A_31 = arith.subi %div3A, %sub3A : i32
      %select_n3A = arith.select %and3A, %sub3A_31, %div3A : i32
      %jit3A_32 = arith.constant 32 : i32
      %eq3A = arith.constant 0 : i32
      %eq3A_33 = arith.cmpi eq, %jit3A_32, %eq3A : i32
      %jit3A_34 = arith.constant 1 : i32
      %select_n3A_35 = arith.select %eq3A_33, %jit3A_34, %jit3A_32 : i32
      %rem3A_36 = arith.remsi %scan3A_14, %select_n3A_35 : i32
      %ne3A_37 = arith.constant 0 : i32
      %ne3A_38 = arith.cmpi ne, %rem3A_36, %ne3A_37 : i32
      %lt3A = arith.constant 0 : i32
      %lt3A_39 = arith.cmpi slt, %rem3A_36, %lt3A : i32
      %lt3A_40 = arith.constant 0 : i32
      %lt3A_41 = arith.cmpi slt, %select_n3A_35, %lt3A_40 : i32
      %ne3A_42 = arith.xori %lt3A_39, %lt3A_41 : i1
      %and3A_43 = arith.andi %ne3A_42, %ne3A_38 : i1
      %add3A_44 = arith.addi %rem3A_36, %select_n3A_35 : i32
      %select_n3A_45 = arith.select %and3A_43, %add3A_44, %rem3A_36 : i32
      %mul3A_46 = arith.constant 16 : i32
      %mul3A_47 = arith.muli %select_n3A_45, %mul3A_46 : i32
      %mul3A_48 = arith.constant 26 : i32
      %mul3A_49 = arith.muli %mul3A_47, %mul3A_48 : i32
      %add3A_50 = arith.addi %mul3A_49, %select_n3A : i32
      %add3A_51 = vector.broadcast %add3A_50 : i32 to vector<16xi32>
      %add3A_52 = arith.addi %mul3A_5, %add3A_51 : vector<16xi32>
      %gather3A = tpu.vector_load_idx %arg4[%add3A_52] : memref<13312xi32, #tpu.memory_space<vmem>>[vector<16xi32>], vector<16xi32>,
      %mul3A_53 = arith.constant 100000 : i32
      %mul3A_54 = arith.muli %select_n3A, %mul3A_53 : i32
      %add3A_55 = vector.broadcast %mul3A_54 : i32 to vector<16xi32>
      %add3A_56 = arith.addi %gather3A, %add3A_55 : vector<16xi32>
      %mul3A_57 = arith.constant 16 : i32
      %mul3A_58 = arith.muli %scan3A_14, %mul3A_57 : i32
      %swap3A = arith.index_cast %mul3A_58 : i32 to index
      %swap3A_59 = tpu.vector_load %arg5[%swap3A] {strides = array<i32>} : memref<13312xi32, #tpu.memory_space<vmem>>, vector<16xi32>,
      tpu.vector_store %arg5[%swap3A], %add3A_56 {strides = array<i32>} : memref<13312xi32, #tpu.memory_space<vmem>>, vector<16xi32>,
      %scan3A_60 = arith.constant 0 : i32
      %scan3A_61 = arith.constant 1 : i32
      %scan3A_62 = arith.addi %scan3A_14, %scan3A_61 : i32
      %jit3A_63 = arith.constant 32 : i32
      %div3A_64 = arith.divsi %scan3A_62, %jit3A_63 : i32
      %sign3A_65 = arith.constant 0 : i32
      %sign3A_66 = arith.cmpi sgt, %scan3A_62, %sign3A_65 : i32
      %sign3A_67 = arith.extui %sign3A_66 : i1 to i32
      %sign3A_68 = arith.constant 0 : i32
      %sign3A_69 = arith.cmpi slt, %scan3A_62, %sign3A_68 : i32
      %sign3A_70 = arith.extui %sign3A_69 : i1 to i32
      %sign3A_71 = arith.subi %sign3A_67, %sign3A_70 : i32
      %sign3A_72 = arith.constant 0 : i32
      %sign3A_73 = arith.cmpi sgt, %jit3A_63, %sign3A_72 : i32
      %sign3A_74 = arith.extui %sign3A_73 : i1 to i32
      %sign3A_75 = arith.constant 0 : i32
      %sign3A_76 = arith.cmpi slt, %jit3A_63, %sign3A_75 : i32
      %sign3A_77 = arith.extui %sign3A_76 : i1 to i32
      %sign3A_78 = arith.subi %sign3A_74, %sign3A_77 : i32
      %ne3A_79 = arith.cmpi ne, %sign3A_71, %sign3A_78 : i32
      %rem3A_80 = arith.remsi %scan3A_62, %jit3A_63 : i32
      %ne3A_81 = arith.constant 0 : i32
      %ne3A_82 = arith.cmpi ne, %rem3A_80, %ne3A_81 : i32
      %and3A_83 = arith.andi %ne3A_79, %ne3A_82 : i1
      %sub3A_84 = arith.constant 1 : i32
      %sub3A_85 = arith.subi %div3A_64, %sub3A_84 : i32
      %select_n3A_86 = arith.select %and3A_83, %sub3A_85, %div3A_64 : i32
      %jit3A_87 = arith.constant 32 : i32
      %eq3A_88 = arith.constant 0 : i32
      %eq3A_89 = arith.cmpi eq, %jit3A_87, %eq3A_88 : i32
      %jit3A_90 = arith.constant 1 : i32
      %select_n3A_91 = arith.select %eq3A_89, %jit3A_90, %jit3A_87 : i32
      %rem3A_92 = arith.remsi %scan3A_62, %select_n3A_91 : i32
      %ne3A_93 = arith.constant 0 : i32
      %ne3A_94 = arith.cmpi ne, %rem3A_92, %ne3A_93 : i32
      %lt3A_95 = arith.constant 0 : i32
      %lt3A_96 = arith.cmpi slt, %rem3A_92, %lt3A_95 : i32
      %lt3A_97 = arith.constant 0 : i32
      %lt3A_98 = arith.cmpi slt, %select_n3A_91, %lt3A_97 : i32
      %ne3A_99 = arith.xori %lt3A_96, %lt3A_98 : i1
      %and3A_100 = arith.andi %ne3A_99, %ne3A_94 : i1
      %add3A_101 = arith.addi %rem3A_92, %select_n3A_91 : i32
      %select_n3A_102 = arith.select %and3A_100, %add3A_101, %rem3A_92 : i32
      %mul3A_103 = arith.constant 16 : i32
      %mul3A_104 = arith.muli %select_n3A_102, %mul3A_103 : i32
      %mul3A_105 = arith.constant 26 : i32
      %mul3A_106 = arith.muli %mul3A_104, %mul3A_105 : i32
      %add3A_107 = arith.addi %mul3A_106, %select_n3A_86 : i32
      %add3A_108 = vector.broadcast %add3A_107 : i32 to vector<16xi32>
      %add3A_109 = arith.addi %mul3A_5, %add3A_108 : vector<16xi32>
      %gather3A_110 = tpu.vector_load_idx %arg4[%add3A_109] : memref<13312xi32, #tpu.memory_space<vmem>>[vector<16xi32>], vector<16xi32>,
      %mul3A_111 = arith.constant 100000 : i32
      %mul3A_112 = arith.muli %select_n3A_86, %mul3A_111 : i32
      %add3A_113 = vector.broadcast %mul3A_112 : i32 to vector<16xi32>
      %add3A_114 = arith.addi %gather3A_110, %add3A_113 : vector<16xi32>
      %mul3A_115 = arith.constant 16 : i32
      %mul3A_116 = arith.muli %scan3A_62, %mul3A_115 : i32
      %swap3A_117 = arith.index_cast %mul3A_116 : i32 to index
      %swap3A_118 = tpu.vector_load %arg5[%swap3A_117] {strides = array<i32>} : memref<13312xi32, #tpu.memory_space<vmem>>, vector<16xi32>,
      tpu.vector_store %arg5[%swap3A_117], %add3A_114 {strides = array<i32>} : memref<13312xi32, #tpu.memory_space<vmem>>, vector<16xi32>,
      %scan3A_119 = arith.constant 0 : i32
      %scan3A_120 = arith.constant 2 : i32
      %scan3A_121 = arith.addi %scan3A_14, %scan3A_120 : i32
      %jit3A_122 = arith.constant 32 : i32
      %div3A_123 = arith.divsi %scan3A_121, %jit3A_122 : i32
      %sign3A_124 = arith.constant 0 : i32
      %sign3A_125 = arith.cmpi sgt, %scan3A_121, %sign3A_124 : i32
      %sign3A_126 = arith.extui %sign3A_125 : i1 to i32
      %sign3A_127 = arith.constant 0 : i32
      %sign3A_128 = arith.cmpi slt, %scan3A_121, %sign3A_127 : i32
      %sign3A_129 = arith.extui %sign3A_128 : i1 to i32
      %sign3A_130 = arith.subi %sign3A_126, %sign3A_129 : i32
      %sign3A_131 = arith.constant 0 : i32
      %sign3A_132 = arith.cmpi sgt, %jit3A_122, %sign3A_131 : i32
      %sign3A_133 = arith.extui %sign3A_132 : i1 to i32
      %sign3A_134 = arith.constant 0 : i32
      %sign3A_135 = arith.cmpi slt, %jit3A_122, %sign3A_134 : i32
      %sign3A_136 = arith.extui %sign3A_135 : i1 to i32
      %sign3A_137 = arith.subi %sign3A_133, %sign3A_136 : i32
      %ne3A_138 = arith.cmpi ne, %sign3A_130, %sign3A_137 : i32
      %rem3A_139 = arith.remsi %scan3A_121, %jit3A_122 : i32
      %ne3A_140 = arith.constant 0 : i32
      %ne3A_141 = arith.cmpi ne, %rem3A_139, %ne3A_140 : i32
      %and3A_142 = arith.andi %ne3A_138, %ne3A_141 : i1
      %sub3A_143 = arith.constant 1 : i32
      %sub3A_144 = arith.subi %div3A_123, %sub3A_143 : i32
      %select_n3A_145 = arith.select %and3A_142, %sub3A_144, %div3A_123 : i32
      %jit3A_146 = arith.constant 32 : i32
      %eq3A_147 = arith.constant 0 : i32
      %eq3A_148 = arith.cmpi eq, %jit3A_146, %eq3A_147 : i32
      %jit3A_149 = arith.constant 1 : i32
      %select_n3A_150 = arith.select %eq3A_148, %jit3A_149, %jit3A_146 : i32
      %rem3A_151 = arith.remsi %scan3A_121, %select_n3A_150 : i32
      %ne3A_152 = arith.constant 0 : i32
      %ne3A_153 = arith.cmpi ne, %rem3A_151, %ne3A_152 : i32
      %lt3A_154 = arith.constant 0 : i32
      %lt3A_155 = arith.cmpi slt, %rem3A_151, %lt3A_154 : i32
      %lt3A_156 = arith.constant 0 : i32
      %lt3A_157 = arith.cmpi slt, %select_n3A_150, %lt3A_156 : i32
      %ne3A_158 = arith.xori %lt3A_155, %lt3A_157 : i1
      %and3A_159 = arith.andi %ne3A_158, %ne3A_153 : i1
      %add3A_160 = arith.addi %rem3A_151, %select_n3A_150 : i32
      %select_n3A_161 = arith.select %and3A_159, %add3A_160, %rem3A_151 : i32
      %mul3A_162 = arith.constant 16 : i32
      %mul3A_163 = arith.muli %select_n3A_161, %mul3A_162 : i32
      %mul3A_164 = arith.constant 26 : i32
      %mul3A_165 = arith.muli %mul3A_163, %mul3A_164 : i32
      %add3A_166 = arith.addi %mul3A_165, %select_n3A_145 : i32
      %add3A_167 = vector.broadcast %add3A_166 : i32 to vector<16xi32>
      %add3A_168 = arith.addi %mul3A_5, %add3A_167 : vector<16xi32>
      %gather3A_169 = tpu.vector_load_idx %arg4[%add3A_168] : memref<13312xi32, #tpu.memory_space<vmem>>[vector<16xi32>], vector<16xi32>,
      %mul3A_170 = arith.constant 100000 : i32
      %mul3A_171 = arith.muli %select_n3A_145, %mul3A_170 : i32
      %add3A_172 = vector.broadcast %mul3A_171 : i32 to vector<16xi32>
      %add3A_173 = arith.addi %gather3A_169, %add3A_172 : vector<16xi32>
      %mul3A_174 = arith.constant 16 : i32
      %mul3A_175 = arith.muli %scan3A_121, %mul3A_174 : i32
      %swap3A_176 = arith.index_cast %mul3A_175 : i32 to index
      %swap3A_177 = tpu.vector_load %arg5[%swap3A_176] {strides = array<i32>} : memref<13312xi32, #tpu.memory_space<vmem>>, vector<16xi32>,
      tpu.vector_store %arg5[%swap3A_176], %add3A_173 {strides = array<i32>} : memref<13312xi32, #tpu.memory_space<vmem>>, vector<16xi32>,
      %scan3A_178 = arith.constant 0 : i32
      %scan3A_179 = arith.constant 3 : i32
      %scan3A_180 = arith.addi %scan3A_14, %scan3A_179 : i32
      %jit3A_181 = arith.constant 32 : i32
      %div3A_182 = arith.divsi %scan3A_180, %jit3A_181 : i32
      %sign3A_183 = arith.constant 0 : i32
      %sign3A_184 = arith.cmpi sgt, %scan3A_180, %sign3A_183 : i32
      %sign3A_185 = arith.extui %sign3A_184 : i1 to i32
      %sign3A_186 = arith.constant 0 : i32
      %sign3A_187 = arith.cmpi slt, %scan3A_180, %sign3A_186 : i32
      %sign3A_188 = arith.extui %sign3A_187 : i1 to i32
      %sign3A_189 = arith.subi %sign3A_185, %sign3A_188 : i32
      %sign3A_190 = arith.constant 0 : i32
      %sign3A_191 = arith.cmpi sgt, %jit3A_181, %sign3A_190 : i32
      %sign3A_192 = arith.extui %sign3A_191 : i1 to i32
      %sign3A_193 = arith.constant 0 : i32
      %sign3A_194 = arith.cmpi slt, %jit3A_181, %sign3A_193 : i32
      %sign3A_195 = arith.extui %sign3A_194 : i1 to i32
      %sign3A_196 = arith.subi %sign3A_192, %sign3A_195 : i32
      %ne3A_197 = arith.cmpi ne, %sign3A_189, %sign3A_196 : i32
      %rem3A_198 = arith.remsi %scan3A_180, %jit3A_181 : i32
      %ne3A_199 = arith.constant 0 : i32
      %ne3A_200 = arith.cmpi ne, %rem3A_198, %ne3A_199 : i32
      %and3A_201 = arith.andi %ne3A_197, %ne3A_200 : i1
      %sub3A_202 = arith.constant 1 : i32
      %sub3A_203 = arith.subi %div3A_182, %sub3A_202 : i32
      %select_n3A_204 = arith.select %and3A_201, %sub3A_203, %div3A_182 : i32
      %jit3A_205 = arith.constant 32 : i32
      %eq3A_206 = arith.constant 0 : i32
      %eq3A_207 = arith.cmpi eq, %jit3A_205, %eq3A_206 : i32
      %jit3A_208 = arith.constant 1 : i32
      %select_n3A_209 = arith.select %eq3A_207, %jit3A_208, %jit3A_205 : i32
      %rem3A_210 = arith.remsi %scan3A_180, %select_n3A_209 : i32
      %ne3A_211 = arith.constant 0 : i32
      %ne3A_212 = arith.cmpi ne, %rem3A_210, %ne3A_211 : i32
      %lt3A_213 = arith.constant 0 : i32
      %lt3A_214 = arith.cmpi slt, %rem3A_210, %lt3A_213 : i32
      %lt3A_215 = arith.constant 0 : i32
      %lt3A_216 = arith.cmpi slt, %select_n3A_209, %lt3A_215 : i32
      %ne3A_217 = arith.xori %lt3A_214, %lt3A_216 : i1
      %and3A_218 = arith.andi %ne3A_217, %ne3A_212 : i1
      %add3A_219 = arith.addi %rem3A_210, %select_n3A_209 : i32
      %select_n3A_220 = arith.select %and3A_218, %add3A_219, %rem3A_210 : i32
      %mul3A_221 = arith.constant 16 : i32
      %mul3A_222 = arith.muli %select_n3A_220, %mul3A_221 : i32
      %mul3A_223 = arith.constant 26 : i32
      %mul3A_224 = arith.muli %mul3A_222, %mul3A_223 : i32
      %add3A_225 = arith.addi %mul3A_224, %select_n3A_204 : i32
      %add3A_226 = vector.broadcast %add3A_225 : i32 to vector<16xi32>
      %add3A_227 = arith.addi %mul3A_5, %add3A_226 : vector<16xi32>
      %gather3A_228 = tpu.vector_load_idx %arg4[%add3A_227] : memref<13312xi32, #tpu.memory_space<vmem>>[vector<16xi32>], vector<16xi32>,
      %mul3A_229 = arith.constant 100000 : i32
      %mul3A_230 = arith.muli %select_n3A_204, %mul3A_229 : i32
      %add3A_231 = vector.broadcast %mul3A_230 : i32 to vector<16xi32>
      %add3A_232 = arith.addi %gather3A_228, %add3A_231 : vector<16xi32>
      %mul3A_233 = arith.constant 16 : i32
      %mul3A_234 = arith.muli %scan3A_180, %mul3A_233 : i32
      %swap3A_235 = arith.index_cast %mul3A_234 : i32 to index
      %swap3A_236 = tpu.vector_load %arg5[%swap3A_235] {strides = array<i32>} : memref<13312xi32, #tpu.memory_space<vmem>>, vector<16xi32>,
      tpu.vector_store %arg5[%swap3A_235], %add3A_232 {strides = array<i32>} : memref<13312xi32, #tpu.memory_space<vmem>>, vector<16xi32>,
      %scan3A_237 = arith.constant 0 : i32
      scf.yield %scan3A_237 : i32
    }
    %scan3A_11 = arith.constant 832 : i32
    %mul3A_12 = arith.constant 13312 : i32
    %mul3A_13 = arith.muli %add3A, %mul3A_12 : i32
    "tpu.region"() ({
      %run_scoped3A = tpu.sem_alloc : memref<!tpu.dma_semaphore, #tpu.memory_space<semaphore_mem>>
      %dma_start3A = tpu.memref_slice %arg3[%mul3A_13] : memref<425984xi32, #tpu.memory_space<hbm>> -> memref<13312xi32, #tpu.memory_space<hbm>>
      %dma_start3A_14 = tpu.memref_slice %arg3[%mul3A_13] : memref<425984xi32, #tpu.memory_space<hbm>> -> memref<13312xi32, #tpu.memory_space<hbm>>
      tpu.enqueue_dma source(%arg5 : memref<13312xi32, #tpu.memory_space<vmem>>) target(%dma_start3A_14 : memref<13312xi32, #tpu.memory_space<hbm>>) target_semaphore(%run_scoped3A : memref<!tpu.dma_semaphore, #tpu.memory_space<semaphore_mem>>)
      %dma_wait3A = tpu.memref_slice %arg3[%mul3A_13] : memref<425984xi32, #tpu.memory_space<hbm>> -> memref<13312xi32, #tpu.memory_space<hbm>>
      %dma_wait3A_15 = tpu.memref_slice %arg3[%mul3A_13] : memref<425984xi32, #tpu.memory_space<hbm>> -> memref<13312xi32, #tpu.memory_space<hbm>>
      tpu.wait_dma2 semaphore(%run_scoped3A : memref<!tpu.dma_semaphore, #tpu.memory_space<semaphore_mem>>) src(%arg5 : memref<13312xi32, #tpu.memory_space<vmem>>) dst(%dma_wait3A_15 : memref<13312xi32, #tpu.memory_space<hbm>>)
      tpu.yield
    }) : () -> ()
    return
  }
}

#map = affine_map<(d0, d1) -> (0)>
module attributes {stable_mosaic.version = 14 : i64} {
  func.func @_gather_body(%arg0: i32, %arg1: i32, %arg2: memref<425984xi32, #tpu.memory_space<hbm>>, %arg3: memref<2600000xi32, #tpu.memory_space<hbm>>, %arg4: memref<16384xf32, #tpu.memory_space<hbm>>, %arg5: memref<13312xi32, #tpu.memory_space<vmem>>, %arg6: memref<13312xi32, #tpu.memory_space<vmem>>, %arg7: memref<512xf32, #tpu.memory_space<vmem>>, %arg8: memref<!tpu.dma_semaphore, #tpu.memory_space<semaphore_mem>>) attributes {dimension_semantics = [#tpu.dimension_semantics<core_parallel>, #tpu.dimension_semantics<subcore_parallel>], iteration_bounds = array<i64: 2, 16>, scalar_prefetch = 0 : i64, scratch_operands = 4 : i64, tpu.core_type = #tpu.core_type<sc_vector_subcore>, window_params = [{transform_indices = #map}, {transform_indices = #map}, {transform_indices = #map}]} {
    %mul3A = arith.constant 2 : i32
    %mul3A_0 = arith.muli %arg1, %mul3A : i32
    %add3A = arith.addi %mul3A_0, %arg0 : i32
    %mul3A_1 = arith.constant 13312 : i32
    %mul3A_2 = arith.muli %add3A, %mul3A_1 : i32
    "tpu.region"() ({
      %run_scoped3A = tpu.sem_alloc : memref<!tpu.dma_semaphore, #tpu.memory_space<semaphore_mem>>
      %dma_start3A_13 = tpu.memref_slice %arg2[%mul3A_2] : memref<425984xi32, #tpu.memory_space<hbm>> -> memref<13312xi32, #tpu.memory_space<hbm>>
      %dma_start3A_14 = tpu.memref_slice %arg2[%mul3A_2] : memref<425984xi32, #tpu.memory_space<hbm>> -> memref<13312xi32, #tpu.memory_space<hbm>>
      tpu.enqueue_dma source(%dma_start3A_14 : memref<13312xi32, #tpu.memory_space<hbm>>) target(%arg5 : memref<13312xi32, #tpu.memory_space<vmem>>) target_semaphore(%run_scoped3A : memref<!tpu.dma_semaphore, #tpu.memory_space<semaphore_mem>>)
      %dma_wait3A_15 = tpu.memref_slice %arg2[%mul3A_2] : memref<425984xi32, #tpu.memory_space<hbm>> -> memref<13312xi32, #tpu.memory_space<hbm>>
      %dma_wait3A_16 = tpu.memref_slice %arg2[%mul3A_2] : memref<425984xi32, #tpu.memory_space<hbm>> -> memref<13312xi32, #tpu.memory_space<hbm>>
      tpu.wait_dma2 semaphore(%run_scoped3A : memref<!tpu.dma_semaphore, #tpu.memory_space<semaphore_mem>>) src(%dma_wait3A_16 : memref<13312xi32, #tpu.memory_space<hbm>>) dst(%arg5 : memref<13312xi32, #tpu.memory_space<vmem>>)
      tpu.yield
    }) : () -> ()
    %dma_start3A = arith.constant 0 : i32
    %dma_start3A_3 = tpu.memref_slice %arg3[%dma_start3A] : memref<2600000xi32, #tpu.memory_space<hbm>> -> memref<2600000xi32, #tpu.memory_space<hbm>>
    tpu.enqueue_indirect_dma source(%dma_start3A_3 : memref<2600000xi32, #tpu.memory_space<hbm>>) target(%arg6 : memref<13312xi32, #tpu.memory_space<vmem>>) offsets(%arg5 : memref<13312xi32, #tpu.memory_space<vmem>>) semaphore(%arg8 : memref<!tpu.dma_semaphore, #tpu.memory_space<semaphore_mem>>)
    %dma_wait3A = arith.constant 0 : i32
    %dma_wait3A_4 = tpu.memref_slice %arg3[%dma_wait3A] : memref<2600000xi32, #tpu.memory_space<hbm>> -> memref<2600000xi32, #tpu.memory_space<hbm>>
    tpu.wait_indirect_dma semaphore(%arg8 : memref<!tpu.dma_semaphore, #tpu.memory_space<semaphore_mem>>) src(%dma_wait3A_4 : memref<2600000xi32, #tpu.memory_space<hbm>>) dst(%arg6 : memref<13312xi32, #tpu.memory_space<vmem>>)
    %scan3A = arith.constant 0 : i32
    %scan3A_5 = arith.constant 0 : i32
    %scan3A_6 = arith.constant 32 : i32
    %scan3A_7 = arith.addi %scan3A_5, %scan3A_6 : i32
    %scan3A_8 = arith.constant 1 : i32
    %scan3A_9 = scf.for %scan3A_13 = %scan3A_5 to %scan3A_7 step %scan3A_8 iter_args(%scan3A_14 = %scan3A) -> (i32)  : i32 {
      %broadcast_in_dim3A = arith.constant 0.000000e+00 : f32
      %broadcast_in_dim3A_15 = vector.broadcast %broadcast_in_dim3A : f32 to vector<16xf32>
      %scan3A_16 = arith.constant 0 : i32
      %scan3A_17 = arith.constant 24 : i32
      %scan3A_18 = arith.addi %scan3A_16, %scan3A_17 : i32
      %scan3A_19 = arith.constant 4 : i32
      %scan3A_20 = scf.for %scan3A_46 = %scan3A_16 to %scan3A_18 step %scan3A_19 iter_args(%scan3A_47 = %broadcast_in_dim3A_15) -> (vector<16xf32>)  : i32 {
        %mul3A_48 = arith.constant 512 : i32
        %mul3A_49 = arith.muli %scan3A_46, %mul3A_48 : i32
        %mul3A_50 = arith.constant 16 : i32
        %mul3A_51 = arith.muli %scan3A_13, %mul3A_50 : i32
        %add3A_52 = arith.addi %mul3A_49, %mul3A_51 : i32
        %get3A_53 = arith.index_cast %add3A_52 : i32 to index
        %get3A_54 = tpu.vector_load %arg6[%get3A_53] {strides = array<i32>} : memref<13312xi32, #tpu.memory_space<vmem>>, vector<16xi32>,
        %bitcast3A_55 = vector.bitcast %get3A_54 : vector<16xi32> to vector<16xf32>
        %add3A_56 = arith.addf %scan3A_47, %bitcast3A_55 : vector<16xf32>
        %scan3A_57 = arith.constant 1 : i32
        %scan3A_58 = arith.addi %scan3A_46, %scan3A_57 : i32
        %mul3A_59 = arith.constant 512 : i32
        %mul3A_60 = arith.muli %scan3A_58, %mul3A_59 : i32
        %mul3A_61 = arith.constant 16 : i32
        %mul3A_62 = arith.muli %scan3A_13, %mul3A_61 : i32
        %add3A_63 = arith.addi %mul3A_60, %mul3A_62 : i32
        %get3A_64 = arith.index_cast %add3A_63 : i32 to index
        %get3A_65 = tpu.vector_load %arg6[%get3A_64] {strides = array<i32>} : memref<13312xi32, #tpu.memory_space<vmem>>, vector<16xi32>,
        %bitcast3A_66 = vector.bitcast %get3A_65 : vector<16xi32> to vector<16xf32>
        %add3A_67 = arith.addf %add3A_56, %bitcast3A_66 : vector<16xf32>
        %scan3A_68 = arith.constant 2 : i32
        %scan3A_69 = arith.addi %scan3A_46, %scan3A_68 : i32
        %mul3A_70 = arith.constant 512 : i32
        %mul3A_71 = arith.muli %scan3A_69, %mul3A_70 : i32
        %mul3A_72 = arith.constant 16 : i32
        %mul3A_73 = arith.muli %scan3A_13, %mul3A_72 : i32
        %add3A_74 = arith.addi %mul3A_71, %mul3A_73 : i32
        %get3A_75 = arith.index_cast %add3A_74 : i32 to index
        %get3A_76 = tpu.vector_load %arg6[%get3A_75] {strides = array<i32>} : memref<13312xi32, #tpu.memory_space<vmem>>, vector<16xi32>,
        %bitcast3A_77 = vector.bitcast %get3A_76 : vector<16xi32> to vector<16xf32>
        %add3A_78 = arith.addf %add3A_67, %bitcast3A_77 : vector<16xf32>
        %scan3A_79 = arith.constant 3 : i32
        %scan3A_80 = arith.addi %scan3A_46, %scan3A_79 : i32
        %mul3A_81 = arith.constant 512 : i32
        %mul3A_82 = arith.muli %scan3A_80, %mul3A_81 : i32
        %mul3A_83 = arith.constant 16 : i32
        %mul3A_84 = arith.muli %scan3A_13, %mul3A_83 : i32
        %add3A_85 = arith.addi %mul3A_82, %mul3A_84 : i32
        %get3A_86 = arith.index_cast %add3A_85 : i32 to index
        %get3A_87 = tpu.vector_load %arg6[%get3A_86] {strides = array<i32>} : memref<13312xi32, #tpu.memory_space<vmem>>, vector<16xi32>,
        %bitcast3A_88 = vector.bitcast %get3A_87 : vector<16xi32> to vector<16xf32>
        %add3A_89 = arith.addf %add3A_78, %bitcast3A_88 : vector<16xf32>
        scf.yield %add3A_89 : vector<16xf32>
      }
      %scan3A_21 = arith.constant 24 : i32
      %scan3A_22 = arith.addi %scan3A_16, %scan3A_21 : i32
      %mul3A_23 = arith.constant 512 : i32
      %mul3A_24 = arith.muli %scan3A_22, %mul3A_23 : i32
      %mul3A_25 = arith.constant 16 : i32
      %mul3A_26 = arith.muli %scan3A_13, %mul3A_25 : i32
      %add3A_27 = arith.addi %mul3A_24, %mul3A_26 : i32
      %get3A = arith.index_cast %add3A_27 : i32 to index
      %get3A_28 = tpu.vector_load %arg6[%get3A] {strides = array<i32>} : memref<13312xi32, #tpu.memory_space<vmem>>, vector<16xi32>,
      %bitcast3A = vector.bitcast %get3A_28 : vector<16xi32> to vector<16xf32>
      %add3A_29 = arith.addf %scan3A_20, %bitcast3A : vector<16xf32>
      %scan3A_30 = arith.constant 25 : i32
      %scan3A_31 = arith.addi %scan3A_16, %scan3A_30 : i32
      %mul3A_32 = arith.constant 512 : i32
      %mul3A_33 = arith.muli %scan3A_31, %mul3A_32 : i32
      %mul3A_34 = arith.constant 16 : i32
      %mul3A_35 = arith.muli %scan3A_13, %mul3A_34 : i32
      %add3A_36 = arith.addi %mul3A_33, %mul3A_35 : i32
      %get3A_37 = arith.index_cast %add3A_36 : i32 to index
      %get3A_38 = tpu.vector_load %arg6[%get3A_37] {strides = array<i32>} : memref<13312xi32, #tpu.memory_space<vmem>>, vector<16xi32>,
      %bitcast3A_39 = vector.bitcast %get3A_38 : vector<16xi32> to vector<16xf32>
      %add3A_40 = arith.addf %add3A_29, %bitcast3A_39 : vector<16xf32>
      %scan3A_41 = arith.constant 26 : i32
      %mul3A_42 = arith.constant 16 : i32
      %mul3A_43 = arith.muli %scan3A_13, %mul3A_42 : i32
      %swap3A = arith.index_cast %mul3A_43 : i32 to index
      %swap3A_44 = tpu.vector_load %arg7[%swap3A] {strides = array<i32>} : memref<512xf32, #tpu.memory_space<vmem>>, vector<16xf32>,
      tpu.vector_store %arg7[%swap3A], %add3A_40 {strides = array<i32>} : memref<512xf32, #tpu.memory_space<vmem>>, vector<16xf32>,
      %scan3A_45 = arith.constant 0 : i32
      scf.yield %scan3A_45 : i32
    }
    %scan3A_10 = arith.constant 32 : i32
    %mul3A_11 = arith.constant 512 : i32
    %mul3A_12 = arith.muli %add3A, %mul3A_11 : i32
    "tpu.region"() ({
      %run_scoped3A = tpu.sem_alloc : memref<!tpu.dma_semaphore, #tpu.memory_space<semaphore_mem>>
      %dma_start3A_13 = tpu.memref_slice %arg4[%mul3A_12] : memref<16384xf32, #tpu.memory_space<hbm>> -> memref<512xf32, #tpu.memory_space<hbm>>
      %dma_start3A_14 = tpu.memref_slice %arg4[%mul3A_12] : memref<16384xf32, #tpu.memory_space<hbm>> -> memref<512xf32, #tpu.memory_space<hbm>>
      tpu.enqueue_dma source(%arg7 : memref<512xf32, #tpu.memory_space<vmem>>) target(%dma_start3A_14 : memref<512xf32, #tpu.memory_space<hbm>>) target_semaphore(%run_scoped3A : memref<!tpu.dma_semaphore, #tpu.memory_space<semaphore_mem>>)
      %dma_wait3A_15 = tpu.memref_slice %arg4[%mul3A_12] : memref<16384xf32, #tpu.memory_space<hbm>> -> memref<512xf32, #tpu.memory_space<hbm>>
      %dma_wait3A_16 = tpu.memref_slice %arg4[%mul3A_12] : memref<16384xf32, #tpu.memory_space<hbm>> -> memref<512xf32, #tpu.memory_space<hbm>>
      tpu.wait_dma2 semaphore(%run_scoped3A : memref<!tpu.dma_semaphore, #tpu.memory_space<semaphore_mem>>) src(%arg7 : memref<512xf32, #tpu.memory_space<vmem>>) dst(%dma_wait3A_16 : memref<512xf32, #tpu.memory_space<hbm>>)
      tpu.yield
    }) : () -> ()
    return
  }
}

</mosaic_0001>

<sc_bundles>
// kernel: kernel.4.cloned.1.call-start
scs
__scs_entry_jumppad:
0x0: {  	(pc) =	sbr.rel $0x88, $3  }
0x1: {  	(tag) =	ssettag $0x0;
	lr =	simm.s32 $0x1  }
0x2: {  	[smem:$0x3F9E] =	sst lr;
	_ =	strace $0xD0000000  }
0x3: {  	_ = 	snop  }
0x4: {  	_ = 	snop  }
0x5: {  	_ = 	snop  }
0x6: {  	_ = 	snop  }
0x7: {  	_ = 	snop  }
__scs_overlays_trampoline_lowered:
0x8: {  	[smem:$0x3FAD] =	sst s0  }
0x9: {  	[smem:$0x3FAE] =	sst s1  }
0xa: {  	[smem:$0x3FAF] =	sst s2  }
0xb: {  	[smem:$0x3FB0] =	sst s3  }
0xc: {  	[smem:$0x3FB1] =	sst s4  }
0xd: {  	[smem:$0x3FB2] =	sst s5  }
0xe: {  	[smem:$0x3FB3] =	sst s6  }
0xf: {  	[smem:$0x3FB4] =	sst s7  }
0x10: {  	[smem:$0x3FB5] =	sst s8  }
0x11: {  	[smem:$0x3FB6] =	sst s9;
	s0 =	simm.s32 @!p0 $0x0  }
0x12: {  	s1 =	sld [smem:$0x3F9C];
	s0 =	simm.s32 @p0 $0x1  }
0x13: {  	[smem:$0x3FB7] =	sst s0;
	s0 =	simm.s32 @!p1 $0x0  }
0x14: {  	s2 =	sld [smem:$0x3F9B];
	s0 =	simm.s32 @p1 $0x1  }
0x15: {  	[smem:$0x3FB8] =	sst s0;
	s0 =	simm.s32 @!p2 $0x0  }
0x16: {  	s3 =	sld [smem:$0x3FDB];
	s0 =	simm.s32 @p2 $0x1  }
0x17: {  	s4 =	simm.s32 $0x1BF5;
	[smem:$0x3FBA] =	sst s0  }
0x18: {  	s0 =	sld [smem:$0x3F9D];
	_ =	swait.ge [sflag:s4], $0x0  }
0x19: {  	s7 =	sld [smem:$0x3F9E]  }
0x1a: {  	s8 =	sadd.s32 $0xFFFFE003, lr  }
0x1b: {  	s9 =	sadd.s32 $0xFFFFFEF7, lr;
	s5 =	simm.s32 $0xFFFFFFFF;
	p2 =	slt.u32 s8, $0xFFFFF086  }
0x1c: {  	p1 =	slt.u32 s9, $0xF7A;
	s5 =	simm.s32 @!p2 $0x0  }
0x1d: {  	s5 =	simm.s32 @p1 $0x1;
	p0 =	seq.s32 s7, s2  }
0x1e: {  	s7 =	smul.u32 @!p0 $0xF7A, s2;
	p2 =	seq.s32 @!p0 s5, $0x0  }
0x1f: {  	s9 =	smul.u32 $0xF7A, s1;
	s8 =	simm.s32 @!p0 $0x1BF5;
	p2 =	por !p2, p0  }
0x20: {  	[sflag:s8] =	ssyncset.s32 @!p0 $0xFFFFF086;
	s6 =	sadd.s32 @!p0 s3, s7;
	s7 =	simm.s32 @!p0 $0x108  }
0x21: {  	s3 =	sadd.s32 s3, s9;
	s6 =	sadd.s32 @!p0 $0x88, s6;
	s7 =	simm.s32 @p2 $0x1082  }
0x22: {  	[simem:s7], [sflag:s8] =	dma.local @!p0 [hbm:s6], $0xF7A  }
0x23: {  	s9 =	sor.u32 $0xD0000000, s2;
	s6 =	simm.s32 $0x108;
	_ =	swait.ge @!p0 [sflag:s8], $0x0  }
0x24: {  	s3 =	sadd.s32 $0x88, s3;
	s6 =	simm.s32 @!p1 $0x1082;
	[sflag:s4] =	ssyncset.s32 $0xFFFFF086  }
0x25: {  	[simem:s6], [sflag:s4] =	dma.local [hbm:s3], $0xF7A  }
0x26: {  	[smem:$0x3F9E] =	sst s1;
	(tag) =	ssettag s2;
	_ =	strace s9  }
0x27: {  	s1 =	sld [smem:$0x3FAE]  }
0x28: {  	s2 =	sld [smem:$0x3FAF]  }
0x29: {  	s4 =	sld [smem:$0x3FB1]  }
0x2a: {  	p0 =	seq.s32 s5, $0x0;
	s5 =	sld [smem:$0x3FB2]  }
0x2b: {  	s6 =	sld [smem:$0x3FB3]  }
0x2c: {  	s7 =	sld [smem:$0x3FB4]  }
0x2d: {  	s3 =	simm.s32 $0x108;
	s8 =	sld [smem:$0x3FB5]  }
0x2e: {  	s3 =	simm.s32 @!p0 $0x1082;
	s9 =	sld [smem:$0x3FB6]  }
0x2f: {  	lr =	sadd.s32 s0, s3;
	s0 =	sld [smem:$0x3FAD]  }
0x30: {  	s3 =	sld [smem:$0x3FB0]  }
0x31: {  	[smem:$0x3FB9] =	sst s10  }
0x32: {  	s10 =	sld [smem:$0x3FB7];
	_ =	sdelay $0x3  }
0x33: {  	p0 =	seq.s32 s10, $0x1;
	s10 =	sld [smem:$0x3FB9];
	_ =	sdelay $0x3  }
0x34: {  	[smem:$0x3FB9] =	sst s10  }
0x35: {  	s10 =	sld [smem:$0x3FB8];
	_ =	sdelay $0x3  }
0x36: {  	p1 =	seq.s32 s10, $0x1;
	s10 =	sld [smem:$0x3FB9];
	_ =	sdelay $0x3  }
0x37: {  	[smem:$0x3FB9] =	sst s10  }
0x38: {  	s10 =	sld [smem:$0x3FBA]  }
0x39: {  	_ = 	snop;
	(pc) =	sbr.ind lr, $3  }
0x3a: {  	_ = 	snop  }
0x3b: {  	_ = 	snop  }
0x3c: {  	p2 =	seq.s32 s10, $0x1;
	s10 =	sld [smem:$0x3FB9]  }
0x3d: {  	_ =	shalt  }
0x3e: {  	_ =	shalt  }
0x3f: {  	_ =	shalt  }
0x40: {  	_ =	shalt  }
0x41: {  	_ =	shalt  }
0x42: {  	_ =	shalt  }
0x43: {  	_ =	shalt  }
0x44: {  	_ =	shalt  }
0x45: {  	_ =	shalt  }
0x46: {  	_ =	shalt  }
0x47: {  	_ =	shalt  }
0x48: {  	_ =	shalt  }
0x49: {  	_ =	shalt  }
0x4a: {  	_ =	shalt  }
0x4b: {  	_ =	shalt  }
0x4c: {  	_ =	shalt  }
0x4d: {  	_ =	shalt  }
0x4e: {  	_ =	shalt  }
0x4f: {  	_ =	shalt  }
0x50: {  	_ =	shalt  }
0x51: {  	_ =	shalt  }
0x52: {  	_ =	shalt  }
0x53: {  	_ =	shalt  }
0x54: {  	_ =	shalt  }
0x55: {  	_ =	shalt  }
0x56: {  	_ =	shalt  }
0x57: {  	_ =	shalt  }
0x58: {  	_ =	shalt  }
0x59: {  	_ =	shalt  }
0x5a: {  	_ =	shalt  }
0x5b: {  	_ =	shalt  }
0x5c: {  	_ =	shalt  }
0x5d: {  	_ =	shalt  }
0x5e: {  	_ =	shalt  }
0x5f: {  	_ =	shalt  }
0x60: {  	_ =	shalt  }
0x61: {  	_ =	shalt  }
0x62: {  	_ =	shalt  }
0x63: {  	_ =	shalt  }
0x64: {  	_ =	shalt  }
0x65: {  	_ =	shalt  }
0x66: {  	_ =	shalt  }
0x67: {  	_ =	shalt  }
0x68: {  	_ =	shalt  }
0x69: {  	_ =	shalt  }
0x6a: {  	_ =	shalt  }
0x6b: {  	_ =	shalt  }
0x6c: {  	_ =	shalt  }
0x6d: {  	_ =	shalt  }
0x6e: {  	_ =	shalt  }
0x6f: {  	_ =	shalt  }
0x70: {  	_ =	shalt  }
0x71: {  	_ =	shalt  }
0x72: {  	_ =	shalt  }
0x73: {  	_ =	shalt  }
0x74: {  	_ =	shalt  }
0x75: {  	_ =	shalt  }
0x76: {  	_ =	shalt  }
0x77: {  	_ =	shalt  }
0x78: {  	_ =	shalt  }
0x79: {  	_ =	shalt  }
0x7a: {  	_ =	shalt  }
0x7b: {  	_ =	shalt  }
0x7c: {  	_ =	shalt  }
0x7d: {  	_ =	shalt  }
0x7e: {  	_ =	shalt  }
0x7f: {  	_ =	shalt  }
0x80: {  	_ =	shalt  }
0x81: {  	_ =	shalt  }
0x82: {  	_ =	shalt  }
0x83: {  	_ =	shalt  }
0x84: {  	_ =	shalt  }
0x85: {  	_ =	shalt  }
0x86: {  	_ =	shalt  }
0x87: {  	_ =	shalt  }
.Lfunc_end0:
.L_simem_size_0:
called_computation_lowered:
.L_overlay_start_0:
0x88: {  	s2 =	sld [smem:$0x3FD9]  }
0x89: {  	s3 =	sld [smem:$0x3FFE];
	_ =	sdelay $0x1  }
0x8a: {  	s1 =	srdreg.scid  }
0x8b: {  	s0 =	sand.u32 $0x1, s1  }
0x8c: {  	s16 =	sshll.u32 s0, $0xA;
	s2 =	sadd.s32 s3, s2  }
0x8d: {  	s2 =	sadd.s32 s2, s16  }
0x8e: {  	[smem:$0x3FC5] =	sst s2  }
0x8f: {  	_ = 	snop  }
0x90: {  	(tm) =	ssettm $0x1  }
0x91: {  	s17 =	sld [smem:$0x3FFB];
	_ =	sdelay $0x3  }
0x92: {  	_ =	strace s17  }
0x93: {  	s2 =	sld [smem:$0x3FFC];
	_ =	sdelay $0x3  }
0x94: {  	_ =	strace s2  }
0x95: {  	s2 =	sld [smem:$0x3FFD];
	_ =	sdelay $0x3  }
0x96: {  	_ =	strace s2  }
0x97: {  	_ =	strace $0x8FFFFFFF  }
0x98: {  	s18 =	sld [smem:$0x3FDB];
	_ =	sdelay $0x1  }
0x99: {  	s19 =	simm.s32 $_scs_section_size  }
0x9a: {  	s4 =	simm.s32 $_size__tile_overlayer_lowered;
	s5 =	simm.s32 $_tile_overlayer_lowered  }
0x9b: {  	s22 =	simm.s32 $0x1BFF;
	s21 =	sshll.u32 s5, $0x1;
	s2 =	sadd.s32 s19, s18  }
0x9c: {  	s6 =	simm.s32 $0x0;
	s20 =	sshll.u32 s4, $0x1;
	s4 =	sadd.s32 s21, s2  }
0x9d: {  	[timem:s6], [sflag:s22] =	dma.local [hbm:s4], s20  }
0x9e: {  	_ =	swait.ge [sflag:s22], s20  }
0x9f: {  	s3 =	ssub.s32 $0x0, s20;
	[sflag:s22] =	ssyncset.done $0x0  }
0xa0: {  	[sflag:s22] =	ssyncadd.s32 s3;
	_ =	sdelay $0x1  }
0xa1: {  	s23 =	simm.s32 $0x1B8B  }
0xa2: {  	_ =	swait.ge [sflag:s23], $0x1  }
0xa3: {  	[sflag:s23] =	ssyncset.done $0x0  }
0xa4: {  	s25 =	simm.s32 $0x1B8E;
	s24 =	sld [smem:$0x3FFE];
	[sflag:s23] =	ssyncadd.s32 $0xFFFFFFFF  }
0xa5: {  	s26 =	simm.s32 $execute0_lowered;
	[smem:$0x3FD2] =	sst s25  }
0xa6: {  	s4 =	sshll.u32 s26, $0x1;
	_ =	strace $0x80000046;
	[dreg:$0x1] =	wrdreg $0xFFFFFFFF  }
0xa7: {  	s28 =	simm.s32 $_size_execute0_lowered;
	s2 =	sadd.s32 s2, s4;
	[dreg:$0x0] =	wrdreg $0x0  }
0xa8: {  	s4 =	sshll.u32 s28, $0x1;
	[dreg:$0x2] =	wrdreg s2  }
0xa9: {  	[dreg:$0x3] =	wrdreg s4  }
0xaa: {  	[dreg:$0x4] =	wrdreg $0xC0  }
0xab: {  	_ =	task [dreg:s6], $0x5FFFF  }
0xac: {  	[dreg:$0x1] =	wrdreg $0xFFFFFFFF  }
0xad: {  	[dreg:$0x0] =	wrdreg $0x60  }
0xae: {  	[dreg:$0x2] =	wrdreg s24  }
0xaf: {  	[dreg:$0x3] =	wrdreg $0x9  }
0xb0: {  	_ =	task.clear_ibuf [dreg:s6], $0x4FFFF;
	_ =	strace $0x90000046  }
0xb1: {  	s29 =	simm.s32 $0x9;
	_ =	strace $0x80000048  }
0xb2: {  	_ =	swait.ge [sflag:s29], $0x1  }
0xb3: {  	[sflag:s29] =	ssyncadd.s32 $0xFFFFFFFF  }
0xb4: {  	_ =	strace $0x90000048  }
0xb5: {  	_ =	sfence  }
0xb6: {  	s30 =	sld [smem:$0x0];
	_ =	sdelay $0x2  }
0xb7: {  	s31 =	sshll.u32 s1, $0xD;
	s1 =	sshrl.u32 s1, $0x2  }
0xb8: {  	s3 =	sand.u32 $0x4000, s31;
	s1 =	sadd.s32 s1, s30  }
0xb9: {  	s0 =	sor.u32 s3, s0;
	s1 =	sshll.u32 s1, $0x11  }
0xba: {  	s0 =	sor.u32 s1, s0  }
0xbb: {  	s0 =	sadd.s32 $0x8F2B, s0  }
0xbc: {  	[sflag:s0] =	ssyncadd.remote.s32 $0x1  }
0xbd: {  	_ =	sfence.sel $0xFFFF  }
0xbe: {  	[dreg:$0x0] =	wrdreg $0xFFFFFFFF;
	(pc) =	sbr.abs _section_cstart, $3  }
0xbf: {  	[dreg:$0x1] =	wrdreg $0xFFFFFFFF  }
0xc0: {  	_ =	task.clear_ibuf [dreg:s6], $0x2FFFF;
	_ =	strace $0x9FFFFFFF  }
0xc1: {  	(tm) =	ssettm $0x7FFFFFFF  }
tec
execute0_lowered:
.L_overlay_start_1:
0x0: {  	(tag) =	ssettag $0x1  }
0x1: {  	s1 =	srdreg.scid;
	s0 =	stileid.u32  }
0x2: {  	s4 =	sand.u32 $0x1, s1;
	s2 =	sshll.u32 s0, $0x1  }
0x3: {  	s3 =	rddreg [dreg:$0x0];
	s5 =	sor.u32 s4, s2  }
0x4: {  	s7 =	simm.s32 $0x3400;
	s8 =	simm.s32 $0x0;
	s5 =	smul.u32 $0x680, s5  }
0x5: {  	s1 =	rddreg [dreg:$0x1];
	s2 =	simm.s32 $0x0;
	s4 =	ssub.s32 $0x2, s4  }
0x6: {  	[smem:$0x7FF] =	sst s2;
	s6 =	sshrl.u32 s4, $0x1;
	s5 =	sadd.s32 s5, s3  }
0x7: {  	v0 =	vlaneseq.u32;
	_ =	strace $0x80000047;
	s6 =	ssub.s32 s4, s6;
	s3 =	sadd.s32 $0x1000, s5  }
0x8: {  	v0 =	vmul.u32 $0x1A, v0;
	s4 =	sadd.s32 $0xE000, s5;
	s5 =	smax.u32 s6, $0x1;
	s6 =	simm.s32 $0x1  }
.LBB2_1:
0x9: {  	s9 =	simm.s32 $0x0  }
0xa: {  	s10 =	sand.u32 $0x1C, s9  }
0xb: {  	s10 =	smul.u32 $0x1A0, s10;
	_ =	sdelay $0x1  }
0xc: {  	s10 =	sadd.s32 $0x0, s10  }
0xd: {  	v1 =	vadd.s32 s10, v0  }
0xe: {  	[tilespmem:s2], [sflag:$0x1] =	stream.linear.gather [hbm4b:s3+s2], $0x3400, $0x38;
	[tilespmem:$0x6800] =	vst v63  }
0xf: {  	s30 =	simm.s32 $0x1;
	_ =	swait.ge [sflag:s6], $0x3400  }
0x10: {  	[sflag:s6] =	ssyncset.done $0x0;
	s10 =	sand.u32 $0x1D, s30  }
0x11: {  	[sflag:s6] =	ssyncadd.s32 $0xFFFFCC00;
	s10 =	smul.u32 $0x1A0, s10  }
0x12: {  	v1 =	vld.idx.msk [tilespmem:v1+s2+$0x0], $0xffff  }
0x13: {  	s10 =	sadd.s32 $0x0, s10  }
0x14: {  	s11 =	simm.s32 $0x0;
	v2 =	vadd.s32 s10, v0  }
0x15: {  	s11 =	smul.u32 $0x186A0, s11  }
0x16: {  	s12 =	simm.s32 $0x2  }
0x17: {  	s12 =	sand.u32 $0x1E, s12;
	s10 =	simm.s32 $0x3420;
	v1 =	vadd.s32 s11, v1  }
0x18: {  	s12 =	smul.u32 $0x1A0, s12;
	[tilespmem:s10+$0xFFFFFFE0] =	vst v1  }
0x19: {  	v1 =	vld.idx.msk [tilespmem:v2+s2+$0x0], $0xffff  }
0x1a: {  	s12 =	sadd.s32 $0x0, s12  }
0x1b: {  	v2 =	vadd.s32 s12, v0;
	_ =	sdelay $0x1  }
0x1c: {  	s31 =	simm.s32 $0x3  }
0x1d: {  	s12 =	sand.u32 $0x1F, s31;
	v1 =	vadd.s32 s11, v1  }
0x1e: {  	s12 =	smul.u32 $0x1A0, s12;
	[tilespmem:s10+$0xFFFFFFF0] =	vst v1  }
0x1f: {  	v2 =	vld.idx.msk [tilespmem:v2+s2+$0x0], $0xffff  }
0x20: {  	s12 =	sadd.s32 $0x0, s12  }
0x21: {  	v1 =	vadd.s32 s12, v0  }
.LBB2_2:
0x22: {  	_ =	sdelay $0x1  }
0x23: {  	s12 =	smov.u32 s9;
	s9 =	sadd.s32 $0x4, s9;
	v2 =	vadd.s32 s11, v2  }
0x24: {  	s13 =	sand.u32 $0x1C, s9;
	p0 =	slt.u32 s9, $0x33C;
	[tilespmem:s10+$0x0] =	vst v2  }
0x25: {  	s13 =	smul.u32 $0x1A0, s13;
	v1 =	vld.idx.msk [tilespmem:v1+s2+$0x0], $0xffff  }
0x26: {  	s14 =	sshrl.u32 s9, $0x5  }
0x27: {  	s13 =	sadd.s32 s14, s13  }
0x28: {  	v2 =	vadd.s32 s13, v0;
	_ =	sdelay $0x2  }
0x29: {  	s13 =	sadd.s32 $0x5, s12;
	v1 =	vadd.s32 s11, v1  }
0x2a: {  	s11 =	sand.u32 $0x1D, s13;
	[tilespmem:s10+$0x10] =	vst v1  }
0x2b: {  	s11 =	smul.u32 $0x1A0, s11;
	v1 =	vld.idx.msk [tilespmem:v2+s2+$0x0], $0xffff;
	_ =	sdelay $0x1  }
0x2c: {  	s11 =	sadd.s32 s14, s11  }
0x2d: {  	v2 =	vadd.s32 s11, v0  }
0x2e: {  	s11 =	smul.u32 $0x186A0, s14;
	_ =	sdelay $0x1  }
0x2f: {  	s13 =	sadd.s32 $0x6, s12;
	s10 =	sadd.s32 $0x40, s10;
	v1 =	vadd.s32 s11, v1  }
0x30: {  	s13 =	sand.u32 $0x1E, s13;
	[tilespmem:s10+$0xFFFFFFE0] =	vst v1  }
0x31: {  	s13 =	smul.u32 $0x1A0, s13;
	v1 =	vld.idx.msk [tilespmem:v2+s2+$0x0], $0xffff;
	_ =	sdelay $0x1  }
0x32: {  	s13 =	sadd.s32 s14, s13  }
0x33: {  	v2 =	vadd.s32 s13, v0;
	_ =	sdelay $0x2  }
0x34: {  	s12 =	sadd.s32 $0x7, s12;
	v1 =	vadd.s32 s11, v1  }
.Ltmp0:
0x35: {  	s12 =	sand.u32 $0x1F, s12;
	[tilespmem:s10+$0xFFFFFFF0] =	vst v1;
	(pc) =	sbr.rel @p0 .LBB2_2-.Ltmp0, $3  }
0x36: {  	s12 =	smul.u32 $0x1A0, s12;
	v2 =	vld.idx.msk [tilespmem:v2+s2+$0x0], $0xffff;
	_ =	sdelay $0x1  }
0x37: {  	s12 =	sadd.s32 s14, s12  }
0x38: {  	v1 =	vadd.s32 s12, v0  }
0x39: {  	_ =	sdelay $0x1  }
0x3a: {  	v2 =	vadd.s32 s11, v2  }
0x3b: {  	[tilespmem:s10+$0x0] =	vst v2  }
0x3c: {  	v1 =	vld.idx.msk [tilespmem:v1+s2+$0x0], $0xffff;
	_ =	sdelay $0x3  }
0x3d: {  	s8 =	sadd.s32 $0x1, s8  }
0x3e: {  	p0 =	sne.s32 s8, s5;
	v1 =	vadd.s32 s11, v1  }
.Ltmp1:
0x3f: {  	[tilespmem:s10+$0x10] =	vst v1;
	(pc) =	sbr.rel @p0 .LBB2_1-.Ltmp1, $4  }
0x40: {  	[hbm4b:s4+s2] =	stream.linear.scatter [tilespmem:s7], [sflag:$0x1], $0x3400, $0x38;
	[tilespmem:$0x6800] =	vst v63  }
0x41: {  	_ =	swait.ge [sflag:s6], $0x3400  }
0x42: {  	[sflag:s6] =	ssyncset.done $0x0  }
0x43: {  	[sflag:s6] =	ssyncadd.s32 $0xFFFFCC00  }
0x44: {  	_ =	sfence.sel $0x180000  }
0x45: {  	[bflag:$0x0] =	sbarrier.arrive $0xFFFF  }
0x46: {  	p0 =	sne.s32 s0, $0x0;
	_ =	strace $0x90000047  }
0x47: {  	s0 =	sadd.s32 @!p0 $0x100000, s1;
	[bflag:$0x2] =	sbarrier.arrive $0xFFFF  }
0x48: {  	[sflag:s0] =	ssyncadd.tile.s32 @!p0 $0x1;
	_ =	shalt  }
.Lfunc_end2:
_tile_overlayer_lowered:
.L_overlay_start_2:
0x49: {  	(tag) =	ssettag $0x2  }
0x4a: {  	s0 =	rddreg [dreg:$0x0];
	s2 =	stileid.u32  }
0x4b: {  	s1 =	rddreg [dreg:$0x1];
	p0 =	sne.s32 s2, $0x0  }
0x4c: {  	s3 =	rddreg [dreg:$0x2];
	[bflag:$0x3] =	sbarrier.arrive $0xFFFF;
	s2 =	simm.s32 @!p0 $0x1C01  }
0x4d: {  	[timem:s3], [sflag:s2] =	dma.local @!p0 [hbm:s0], s1  }
0x4e: {  	s0 =	simm.s32 @!p0 $0x1  }
0x4f: {  	_ =	swait.ge @!p0 [sflag:s0], s1  }
0x50: {  	s1 =	ssub.s32 @!p0 $0x0, s1;
	[sflag:s0] =	ssyncset.done @!p0 $0x0  }
0x51: {  	[sflag:s0] =	ssyncadd.s32 @!p0 s1  }
0x52: {  	[bflag:$0x3] =	sbarrier.arrive $0xFFFF  }
0x53: {  	_ =	shalt  }

// kernel: kernel.7.cloned.1.call-start
scs
__scs_entry_jumppad:
0x0: {  	(pc) =	sbr.rel $0x88, $3  }
0x1: {  	(tag) =	ssettag $0x0;
	lr =	simm.s32 $0x1  }
0x2: {  	[smem:$0x3F9E] =	sst lr;
	_ =	strace $0xD0000000  }
0x3: {  	_ = 	snop  }
0x4: {  	_ = 	snop  }
0x5: {  	_ = 	snop  }
0x6: {  	_ = 	snop  }
0x7: {  	_ = 	snop  }
__scs_overlays_trampoline_lowered:
0x8: {  	[smem:$0x3FAD] =	sst s0  }
0x9: {  	[smem:$0x3FAE] =	sst s1  }
0xa: {  	[smem:$0x3FAF] =	sst s2  }
0xb: {  	[smem:$0x3FB0] =	sst s3  }
0xc: {  	[smem:$0x3FB1] =	sst s4  }
0xd: {  	[smem:$0x3FB2] =	sst s5  }
0xe: {  	[smem:$0x3FB3] =	sst s6  }
0xf: {  	[smem:$0x3FB4] =	sst s7  }
0x10: {  	[smem:$0x3FB5] =	sst s8  }
0x11: {  	[smem:$0x3FB6] =	sst s9;
	s0 =	simm.s32 @!p0 $0x0  }
0x12: {  	s1 =	sld [smem:$0x3F9C];
	s0 =	simm.s32 @p0 $0x1  }
0x13: {  	[smem:$0x3FB7] =	sst s0;
	s0 =	simm.s32 @!p1 $0x0  }
0x14: {  	s2 =	sld [smem:$0x3F9B];
	s0 =	simm.s32 @p1 $0x1  }
0x15: {  	[smem:$0x3FB8] =	sst s0;
	s0 =	simm.s32 @!p2 $0x0  }
0x16: {  	s3 =	sld [smem:$0x3FDB];
	s0 =	simm.s32 @p2 $0x1  }
0x17: {  	s4 =	simm.s32 $0x1BF5;
	[smem:$0x3FBA] =	sst s0  }
0x18: {  	s0 =	sld [smem:$0x3F9D];
	_ =	swait.ge [sflag:s4], $0x0  }
0x19: {  	s7 =	sld [smem:$0x3F9E]  }
0x1a: {  	s8 =	sadd.s32 $0xFFFFE003, lr  }
0x1b: {  	s9 =	sadd.s32 $0xFFFFFEF7, lr;
	s5 =	simm.s32 $0xFFFFFFFF;
	p2 =	slt.u32 s8, $0xFFFFF086  }
0x1c: {  	p1 =	slt.u32 s9, $0xF7A;
	s5 =	simm.s32 @!p2 $0x0  }
0x1d: {  	s5 =	simm.s32 @p1 $0x1;
	p0 =	seq.s32 s7, s2  }
0x1e: {  	s7 =	smul.u32 @!p0 $0xF7A, s2;
	p2 =	seq.s32 @!p0 s5, $0x0  }
0x1f: {  	s9 =	smul.u32 $0xF7A, s1;
	s8 =	simm.s32 @!p0 $0x1BF5;
	p2 =	por !p2, p0  }
0x20: {  	[sflag:s8] =	ssyncset.s32 @!p0 $0xFFFFF086;
	s6 =	sadd.s32 @!p0 s3, s7;
	s7 =	simm.s32 @!p0 $0x108  }
0x21: {  	s3 =	sadd.s32 s3, s9;
	s6 =	sadd.s32 @!p0 $0x88, s6;
	s7 =	simm.s32 @p2 $0x1082  }
0x22: {  	[simem:s7], [sflag:s8] =	dma.local @!p0 [hbm:s6], $0xF7A  }
0x23: {  	s9 =	sor.u32 $0xD0000000, s2;
	s6 =	simm.s32 $0x108;
	_ =	swait.ge @!p0 [sflag:s8], $0x0  }
0x24: {  	s3 =	sadd.s32 $0x88, s3;
	s6 =	simm.s32 @!p1 $0x1082;
	[sflag:s4] =	ssyncset.s32 $0xFFFFF086  }
0x25: {  	[simem:s6], [sflag:s4] =	dma.local [hbm:s3], $0xF7A  }
0x26: {  	[smem:$0x3F9E] =	sst s1;
	(tag) =	ssettag s2;
	_ =	strace s9  }
0x27: {  	s1 =	sld [smem:$0x3FAE]  }
0x28: {  	s2 =	sld [smem:$0x3FAF]  }
0x29: {  	s4 =	sld [smem:$0x3FB1]  }
0x2a: {  	p0 =	seq.s32 s5, $0x0;
	s5 =	sld [smem:$0x3FB2]  }
0x2b: {  	s6 =	sld [smem:$0x3FB3]  }
0x2c: {  	s7 =	sld [smem:$0x3FB4]  }
0x2d: {  	s3 =	simm.s32 $0x108;
	s8 =	sld [smem:$0x3FB5]  }
0x2e: {  	s3 =	simm.s32 @!p0 $0x1082;
	s9 =	sld [smem:$0x3FB6]  }
0x2f: {  	lr =	sadd.s32 s0, s3;
	s0 =	sld [smem:$0x3FAD]  }
0x30: {  	s3 =	sld [smem:$0x3FB0]  }
0x31: {  	[smem:$0x3FB9] =	sst s10  }
0x32: {  	s10 =	sld [smem:$0x3FB7];
	_ =	sdelay $0x3  }
0x33: {  	p0 =	seq.s32 s10, $0x1;
	s10 =	sld [smem:$0x3FB9];
	_ =	sdelay $0x3  }
0x34: {  	[smem:$0x3FB9] =	sst s10  }
0x35: {  	s10 =	sld [smem:$0x3FB8];
	_ =	sdelay $0x3  }
0x36: {  	p1 =	seq.s32 s10, $0x1;
	s10 =	sld [smem:$0x3FB9];
	_ =	sdelay $0x3  }
0x37: {  	[smem:$0x3FB9] =	sst s10  }
0x38: {  	s10 =	sld [smem:$0x3FBA]  }
0x39: {  	_ = 	snop;
	(pc) =	sbr.ind lr, $3  }
0x3a: {  	_ = 	snop  }
0x3b: {  	_ = 	snop  }
0x3c: {  	p2 =	seq.s32 s10, $0x1;
	s10 =	sld [smem:$0x3FB9]  }
0x3d: {  	_ =	shalt  }
0x3e: {  	_ =	shalt  }
0x3f: {  	_ =	shalt  }
0x40: {  	_ =	shalt  }
0x41: {  	_ =	shalt  }
0x42: {  	_ =	shalt  }
0x43: {  	_ =	shalt  }
0x44: {  	_ =	shalt  }
0x45: {  	_ =	shalt  }
0x46: {  	_ =	shalt  }
0x47: {  	_ =	shalt  }
0x48: {  	_ =	shalt  }
0x49: {  	_ =	shalt  }
0x4a: {  	_ =	shalt  }
0x4b: {  	_ =	shalt  }
0x4c: {  	_ =	shalt  }
0x4d: {  	_ =	shalt  }
0x4e: {  	_ =	shalt  }
0x4f: {  	_ =	shalt  }
0x50: {  	_ =	shalt  }
0x51: {  	_ =	shalt  }
0x52: {  	_ =	shalt  }
0x53: {  	_ =	shalt  }
0x54: {  	_ =	shalt  }
0x55: {  	_ =	shalt  }
0x56: {  	_ =	shalt  }
0x57: {  	_ =	shalt  }
0x58: {  	_ =	shalt  }
0x59: {  	_ =	shalt  }
0x5a: {  	_ =	shalt  }
0x5b: {  	_ =	shalt  }
0x5c: {  	_ =	shalt  }
0x5d: {  	_ =	shalt  }
0x5e: {  	_ =	shalt  }
0x5f: {  	_ =	shalt  }
0x60: {  	_ =	shalt  }
0x61: {  	_ =	shalt  }
0x62: {  	_ =	shalt  }
0x63: {  	_ =	shalt  }
0x64: {  	_ =	shalt  }
0x65: {  	_ =	shalt  }
0x66: {  	_ =	shalt  }
0x67: {  	_ =	shalt  }
0x68: {  	_ =	shalt  }
0x69: {  	_ =	shalt  }
0x6a: {  	_ =	shalt  }
0x6b: {  	_ =	shalt  }
0x6c: {  	_ =	shalt  }
0x6d: {  	_ =	shalt  }
0x6e: {  	_ =	shalt  }
0x6f: {  	_ =	shalt  }
0x70: {  	_ =	shalt  }
0x71: {  	_ =	shalt  }
0x72: {  	_ =	shalt  }
0x73: {  	_ =	shalt  }
0x74: {  	_ =	shalt  }
0x75: {  	_ =	shalt  }
0x76: {  	_ =	shalt  }
0x77: {  	_ =	shalt  }
0x78: {  	_ =	shalt  }
0x79: {  	_ =	shalt  }
0x7a: {  	_ =	shalt  }
0x7b: {  	_ =	shalt  }
0x7c: {  	_ =	shalt  }
0x7d: {  	_ =	shalt  }
0x7e: {  	_ =	shalt  }
0x7f: {  	_ =	shalt  }
0x80: {  	_ =	shalt  }
0x81: {  	_ =	shalt  }
0x82: {  	_ =	shalt  }
0x83: {  	_ =	shalt  }
0x84: {  	_ =	shalt  }
0x85: {  	_ =	shalt  }
0x86: {  	_ =	shalt  }
0x87: {  	_ =	shalt  }
.Lfunc_end0:
.L_simem_size_0:
called_computation.1_lowered:
.L_overlay_start_0:
0x88: {  	s2 =	sld [smem:$0x3FD9]  }
0x89: {  	s3 =	sld [smem:$0x3FFE];
	_ =	sdelay $0x1  }
0x8a: {  	s1 =	srdreg.scid  }
0x8b: {  	s0 =	sand.u32 $0x1, s1  }
0x8c: {  	s17 =	sshll.u32 s0, $0xA;
	s2 =	sadd.s32 s3, s2  }
0x8d: {  	s2 =	sadd.s32 s2, s17  }
0x8e: {  	[smem:$0x3FC5] =	sst s2  }
0x8f: {  	_ = 	snop  }
0x90: {  	s2 =	sld [smem:$0x3FD0];
	(tm) =	ssettm $0x1  }
0x91: {  	s18 =	sld [smem:$0x3FFB];
	_ =	sdelay $0x3  }
0x92: {  	_ =	strace s18  }
0x93: {  	s3 =	sld [smem:$0x3FFC];
	_ =	sdelay $0x3  }
0x94: {  	_ =	strace s3  }
0x95: {  	s3 =	sld [smem:$0x3FFD];
	_ =	sdelay $0x3  }
0x96: {  	_ =	strace s3  }
0x97: {  	_ =	strace $0x8FFFFFFF  }
0x98: {  	s19 =	sld [smem:$0x3FDB];
	_ =	sdelay $0x1  }
0x99: {  	s4 =	simm.s32 $_scs_section_size  }
0x9a: {  	s5 =	simm.s32 $_size__tile_overlayer_lowered;
	s6 =	simm.s32 $_tile_overlayer_lowered  }
0x9b: {  	s22 =	simm.s32 $0x1BFF;
	s21 =	sshll.u32 s6, $0x1;
	s3 =	sadd.s32 s4, s19  }
0x9c: {  	s7 =	simm.s32 $0x0;
	s20 =	sshll.u32 s5, $0x1;
	s5 =	sadd.s32 s21, s3  }
0x9d: {  	[timem:s7], [sflag:s22] =	dma.local [hbm:s5], s20  }
0x9e: {  	_ =	swait.ge [sflag:s22], s20  }
0x9f: {  	s4 =	ssub.s32 $0x0, s20;
	[sflag:s22] =	ssyncset.done $0x0  }
0xa0: {  	[sflag:s22] =	ssyncadd.s32 s4;
	_ =	sdelay $0x1  }
0xa1: {  	s23 =	simm.s32 $0x1B8B  }
0xa2: {  	_ =	swait.ge [sflag:s23], $0x1  }
0xa3: {  	[sflag:s23] =	ssyncset.done $0x0  }
0xa4: {  	s25 =	simm.s32 $0x1B8E;
	s24 =	sld [smem:$0x3FFE];
	[sflag:s23] =	ssyncadd.s32 $0xFFFFFFFF  }
0xa5: {  	s26 =	simm.s32 $execute0_lowered;
	[smem:$0x3FD2] =	sst s25  }
0xa6: {  	s5 =	sshll.u32 s26, $0x1;
	_ =	strace $0x80000049;
	[dreg:$0x1] =	wrdreg $0xFFFFFFFF  }
0xa7: {  	s28 =	simm.s32 $_size_execute0_lowered;
	s3 =	sadd.s32 s3, s5;
	[dreg:$0x0] =	wrdreg $0x0  }
0xa8: {  	s5 =	sshll.u32 s28, $0x1;
	[dreg:$0x2] =	wrdreg s3  }
0xa9: {  	[dreg:$0x3] =	wrdreg s5  }
0xaa: {  	[dreg:$0x4] =	wrdreg $0xC0  }
0xab: {  	_ =	task [dreg:s7], $0x5FFFF  }
0xac: {  	[dreg:$0x1] =	wrdreg $0xFFFFFFFF  }
0xad: {  	[dreg:$0x0] =	wrdreg $0x60  }
0xae: {  	[dreg:$0x2] =	wrdreg s24  }
0xaf: {  	[dreg:$0x3] =	wrdreg s2  }
0xb0: {  	[dreg:$0x4] =	wrdreg $0x9  }
0xb1: {  	_ =	task.clear_ibuf [dreg:s7], $0x5FFFF;
	_ =	strace $0x90000049  }
0xb2: {  	s29 =	simm.s32 $0x9;
	_ =	strace $0x8000004B  }
0xb3: {  	_ =	swait.ge [sflag:s29], $0x1  }
0xb4: {  	[sflag:s29] =	ssyncadd.s32 $0xFFFFFFFF  }
0xb5: {  	_ =	strace $0x9000004B  }
0xb6: {  	_ =	sfence  }
0xb7: {  	s30 =	sld [smem:$0x0];
	_ =	sdelay $0x2  }
0xb8: {  	s31 =	sshll.u32 s1, $0xD;
	s1 =	sshrl.u32 s1, $0x2  }
0xb9: {  	s3 =	sand.u32 $0x4000, s31;
	s1 =	sadd.s32 s1, s30  }
0xba: {  	s0 =	sor.u32 s3, s0;
	s1 =	sshll.u32 s1, $0x11  }
0xbb: {  	s0 =	sor.u32 s1, s0  }
0xbc: {  	s0 =	sadd.s32 $0x8F2B, s0  }
0xbd: {  	[sflag:s0] =	ssyncadd.remote.s32 $0x1  }
0xbe: {  	_ =	sfence.sel $0xFFFF  }
0xbf: {  	[dreg:$0x0] =	wrdreg $0xFFFFFFFF;
	(pc) =	sbr.abs _section_cstart, $3  }
0xc0: {  	[dreg:$0x1] =	wrdreg $0xFFFFFFFF  }
0xc1: {  	_ =	task.clear_ibuf [dreg:s7], $0x2FFFF;
	_ =	strace $0x9FFFFFFF  }
0xc2: {  	(tm) =	ssettm $0x7FFFFFFF  }
0xc3: {  	_ =	shalt  }
tec
execute0_lowered:
.L_overlay_start_1:
0x0: {  	(tag) =	ssettag $0x1  }
0x1: {  	s1 =	srdreg.scid;
	s3 =	rddreg [dreg:$0x0]  }
0x2: {  	s0 =	stileid.u32;
	s5 =	rddreg [dreg:$0x1];
	s2 =	simm.s32 $0x0  }
0x3: {  	s9 =	simm.s32 $0x1;
	s10 =	simm.s32 $0x6800;
	s11 =	simm.s32 $0x0  }
0x4: {  	s4 =	sand.u32 $0x1, s1;
	s31 =	sshll.u32 s0, $0x1;
	s1 =	rddreg [dreg:$0x2]  }
0x5: {  	[smem:$0x7FF] =	sst s2;
	s6 =	sor.u32 s4, s31;
	s4 =	ssub.s32 $0x2, s4  }
0x6: {  	s7 =	smul.u32 $0x680, s6;
	s8 =	sshrl.u32 s4, $0x1;
	s6 =	sshll.u32 s6, $0x6  }
0x7: {  	_ =	strace $0x8000004A;
	s8 =	ssub.s32 s4, s8;
	s5 =	sadd.s32 s5, s6  }
0x8: {  	s7 =	sadd.s32 s7, s3;
	s3 =	sadd.s32 $0x1B000, s3;
	s6 =	smax.u32 s8, $0x1  }
0x9: {  	s8 =	simm.s32 $0x3400;
	s4 =	sadd.s32 $0xE000, s7;
	s7 =	simm.s32 $0x2  }
.LBB2_1:
0xa: {  	[tilespmem:s2], [sflag:$0x2] =	stream.linear.gather [hbm4b:s4+s2], $0x3400, $0x38;
	[tilespmem:$0x6A00] =	vst v63  }
0xb: {  	_ =	swait.ge [sflag:s7], $0x3400  }
0xc: {  	[sflag:s7] =	ssyncset.done $0x0  }
0xd: {  	[sflag:s7] =	ssyncadd.s32 $0xFFFFCC00  }
0xe: {  	[tilespmem:s8], [sflag:$0x1] =	stream.indirect.gather [hbm4b:s3+s8], $0x1, s2, s8, $0xb8;
	[tilespmem:$0x6A00] =	vst v63  }
0xf: {  	_ =	swait.ge [sflag:s9], $0x3400  }
0x10: {  	[sflag:s9] =	ssyncset.done $0x0  }
0x11: {  	s13 =	simm.s32 $0x0;
	[sflag:s9] =	ssyncadd.s32 $0xFFFFCC00  }
0x12: {  	v0 =	vld [tilespmem:s13+$0x3400];
	_ =	sdelay $0x1  }
0x13: {  	v1 =	vld [tilespmem:s13+$0x3600];
	_ =	sdelay $0x1  }
0x14: {  	v2 =	vld [tilespmem:s13+$0x3800]  }
0x15: {  	v0 =	vadd.f32 $0.0e+00, v0  }
0x16: {  	v3 =	vld [tilespmem:s13+$0x3A00]  }
0x17: {  	v0 =	vadd.f32 v1, v0  }
0x18: {  	v1 =	vld [tilespmem:s13+$0x3C00]  }
0x19: {  	v0 =	vadd.f32 v2, v0  }
0x1a: {  	v2 =	vld [tilespmem:s13+$0x3E00]  }
0x1b: {  	v0 =	vadd.f32 v3, v0  }
0x1c: {  	v3 =	vld [tilespmem:s13+$0x4000]  }
0x1d: {  	v0 =	vadd.f32 v1, v0  }
0x1e: {  	v1 =	vld [tilespmem:s13+$0x4200]  }
0x1f: {  	v0 =	vadd.f32 v2, v0  }
0x20: {  	v2 =	vld [tilespmem:s13+$0x4400]  }
0x21: {  	v0 =	vadd.f32 v3, v0  }
0x22: {  	v3 =	vld [tilespmem:s13+$0x4600]  }
0x23: {  	v0 =	vadd.f32 v1, v0  }
0x24: {  	v1 =	vld [tilespmem:s13+$0x4800]  }
0x25: {  	v0 =	vadd.f32 v2, v0  }
0x26: {  	v2 =	vld [tilespmem:s13+$0x4A00]  }
0x27: {  	v0 =	vadd.f32 v3, v0  }
0x28: {  	s12 =	simm.s32 $0x10;
	v3 =	vld [tilespmem:s13+$0x4C00]  }
0x29: {  	v4 =	vld [tilespmem:s12+$0x3400];
	v0 =	vadd.f32 v1, v0  }
0x2a: {  	v1 =	vld [tilespmem:s13+$0x4E00]  }
0x2b: {  	v5 =	vld [tilespmem:s12+$0x3600];
	v0 =	vadd.f32 v2, v0  }
0x2c: {  	v2 =	vld [tilespmem:s13+$0x5000]  }
0x2d: {  	v6 =	vld [tilespmem:s12+$0x3800];
	v0 =	vadd.f32 v3, v0  }
0x2e: {  	v3 =	vld [tilespmem:s13+$0x5200]  }
0x2f: {  	v7 =	vld [tilespmem:s12+$0x3A00];
	v4 =	vadd.f32 $0.0e+00, v4;
	v0 =	vadd.f32 v1, v0  }
0x30: {  	v1 =	vld [tilespmem:s13+$0x5400]  }
0x31: {  	v4 =	vadd.f32 v5, v4;
	v5 =	vld [tilespmem:s12+$0x3C00];
	v0 =	vadd.f32 v2, v0  }
0x32: {  	v2 =	vld [tilespmem:s13+$0x5600]  }
0x33: {  	v4 =	vadd.f32 v6, v4;
	v6 =	vld [tilespmem:s12+$0x3E00];
	v0 =	vadd.f32 v3, v0  }
0x34: {  	v3 =	vld [tilespmem:s13+$0x5800]  }
0x35: {  	v4 =	vadd.f32 v7, v4;
	v7 =	vld [tilespmem:s12+$0x4000];
	v0 =	vadd.f32 v1, v0  }
0x36: {  	v1 =	vld [tilespmem:s13+$0x5A00]  }
0x37: {  	v4 =	vadd.f32 v5, v4;
	v5 =	vld [tilespmem:s12+$0x4200];
	v0 =	vadd.f32 v2, v0  }
0x38: {  	v2 =	vld [tilespmem:s13+$0x5C00]  }
0x39: {  	v4 =	vadd.f32 v6, v4;
	v6 =	vld [tilespmem:s12+$0x4400];
	v0 =	vadd.f32 v3, v0  }
0x3a: {  	v3 =	vld [tilespmem:s13+$0x5E00]  }
0x3b: {  	v4 =	vadd.f32 v7, v4;
	v7 =	vld [tilespmem:s12+$0x4600];
	v0 =	vadd.f32 v1, v0  }
0x3c: {  	v1 =	vld [tilespmem:s13+$0x6000]  }
0x3d: {  	v8 =	vld [tilespmem:s13+$0x6200];
	v4 =	vadd.f32 v5, v4;
	v0 =	vadd.f32 v2, v0  }
0x3e: {  	v2 =	vld [tilespmem:s12+$0x4800]  }
0x3f: {  	v4 =	vadd.f32 v6, v4;
	v5 =	vadd.f32 v3, v0;
	v0 =	vld [tilespmem:s13+$0x6400]  }
0x40: {  	v3 =	vld [tilespmem:s12+$0x4A00]  }
0x41: {  	v6 =	vadd.f32 v7, v4;
	v4 =	vld [tilespmem:s12+$0x4C00];
	v7 =	vadd.f32 v1, v5  }
0x42: {  	v1 =	vld [tilespmem:s13+$0x6600]  }
0x43: {  	s14 =	simm.s32 $0x20;
	s15 =	simm.s32 $0xC0;
	v5 =	vadd.f32 v2, v6;
	v2 =	vld [tilespmem:s12+$0x4E00];
	v6 =	vadd.f32 v8, v7  }
.LBB2_2:
0x44: {  	p0 =	sne.s32 s15, $0x7C0;
	v7 =	vld [tilespmem:s14+$0x3400]  }
0x45: {  	v3 =	vadd.f32 v3, v5;
	v5 =	vld [tilespmem:s12+$0x5000];
	v0 =	vadd.f32 v0, v6  }
0x46: {  	v6 =	vld [tilespmem:s14+$0x3600]  }
0x47: {  	v3 =	vadd.f32 v4, v3;
	v4 =	vld [tilespmem:s12+$0x5200];
	v0 =	vadd.f32 v1, v0  }
0x48: {  	v1 =	vld [tilespmem:s14+$0x3800]  }
0x49: {  	v7 =	vadd.f32 $0.0e+00, v7;
	v2 =	vadd.f32 v2, v3;
	v3 =	vld [tilespmem:s12+$0x5400];
	[tilespmem:s13+$0x6800] =	vst v0;
	s13 =	smov.u32 s12;
	s12 =	smov.u32 s14  }
0x4a: {  	v0 =	vld [tilespmem:s12+$0x3A00]  }
0x4b: {  	v6 =	vadd.f32 v6, v7;
	v2 =	vadd.f32 v5, v2;
	v5 =	vld [tilespmem:s13+$0x5600]  }
0x4c: {  	v7 =	vld [tilespmem:s12+$0x3C00]  }
0x4d: {  	v1 =	vadd.f32 v1, v6;
	v2 =	vadd.f32 v4, v2;
	v4 =	vld [tilespmem:s13+$0x5800]  }
0x4e: {  	v6 =	vld [tilespmem:s12+$0x3E00]  }
0x4f: {  	v0 =	vadd.f32 v0, v1;
	v1 =	vadd.f32 v3, v2;
	v2 =	vld [tilespmem:s13+$0x5A00]  }
0x50: {  	v3 =	vld [tilespmem:s12+$0x4000]  }
0x51: {  	v0 =	vadd.f32 v7, v0;
	v1 =	vadd.f32 v5, v1;
	v5 =	vld [tilespmem:s13+$0x5C00]  }
0x52: {  	v7 =	vld [tilespmem:s12+$0x4200]  }
0x53: {  	v0 =	vadd.f32 v6, v0;
	v1 =	vadd.f32 v4, v1;
	v4 =	vld [tilespmem:s13+$0x5E00]  }
0x54: {  	v6 =	vld [tilespmem:s12+$0x4400]  }
0x55: {  	v0 =	vadd.f32 v3, v0;
	v1 =	vadd.f32 v2, v1;
	v2 =	vld [tilespmem:s13+$0x6000]  }
0x56: {  	v8 =	vld [tilespmem:s12+$0x4600]  }
0x57: {  	v0 =	vadd.f32 v7, v0;
	v1 =	vadd.f32 v5, v1;
	v7 =	vld [tilespmem:s13+$0x6200]  }
0x58: {  	v5 =	vld [tilespmem:s12+$0x4800]  }
.Ltmp0:
0x59: {  	v6 =	vadd.f32 v6, v0;
	v1 =	vadd.f32 v4, v1;
	v0 =	vld [tilespmem:s13+$0x6400];
	(pc) =	sbr.rel @p0 .LBB2_2-.Ltmp0, $4  }
0x5a: {  	v3 =	vld [tilespmem:s12+$0x4A00]  }
0x5b: {  	v6 =	vadd.f32 v8, v6;
	v8 =	vadd.f32 v2, v1;
	v1 =	vld [tilespmem:s13+$0x6600]  }
0x5c: {  	v4 =	vld [tilespmem:s12+$0x4C00]  }
0x5d: {  	s14 =	sshra.s32 s15, $0x2;
	s15 =	sadd.s32 $0x40, s15;
	v5 =	vadd.f32 v5, v6;
	v2 =	vld [tilespmem:s12+$0x4E00];
	v6 =	vadd.f32 v7, v8  }
0x5e: {  	v7 =	vld [tilespmem:s14+$0x3400]  }
0x5f: {  	v8 =	vld [tilespmem:s12+$0x5000];
	v0 =	vadd.f32 v0, v6  }
0x60: {  	v29 =	vld [tilespmem:s14+$0x3600]  }
0x61: {  	v9 =	vld [tilespmem:s12+$0x5200];
	v3 =	vadd.f32 v3, v5;
	v0 =	vadd.f32 v1, v0  }
0x62: {  	v30 =	vld [tilespmem:s14+$0x3800]  }
0x63: {  	v31 =	vld [tilespmem:s12+$0x5400];
	v3 =	vadd.f32 v4, v3;
	v32 =	vadd.f32 $0.0e+00, v7;
	[tilespmem:s13+$0x6800] =	vst v0  }
0x64: {  	v0 =	vld [tilespmem:s14+$0x3A00]  }
0x65: {  	v2 =	vadd.f32 v2, v3;
	v33 =	vadd.f32 v29, v32  }
0x66: {  	v34 =	vld [tilespmem:s14+$0x3C00]  }
0x67: {  	v35 =	vld [tilespmem:s12+$0x5600];
	v2 =	vadd.f32 v8, v2;
	v1 =	vadd.f32 v30, v33  }
0x68: {  	v36 =	vld [tilespmem:s14+$0x3E00]  }
0x69: {  	v37 =	vld [tilespmem:s12+$0x5800];
	v2 =	vadd.f32 v9, v2;
	v0 =	vadd.f32 v0, v1  }
0x6a: {  	v38 =	vld [tilespmem:s14+$0x4000]  }
0x6b: {  	v39 =	vld [tilespmem:s12+$0x5A00];
	v2 =	vadd.f32 v31, v2;
	v0 =	vadd.f32 v34, v0  }
0x6c: {  	v40 =	vld [tilespmem:s14+$0x4200]  }
0x6d: {  	v41 =	vld [tilespmem:s12+$0x5C00];
	v2 =	vadd.f32 v35, v2;
	v0 =	vadd.f32 v36, v0  }
0x6e: {  	v42 =	vld [tilespmem:s14+$0x4400]  }
0x6f: {  	v43 =	vld [tilespmem:s12+$0x5E00];
	v2 =	vadd.f32 v37, v2;
	v0 =	vadd.f32 v38, v0  }
0x70: {  	v44 =	vld [tilespmem:s14+$0x4600]  }
0x71: {  	v45 =	vld [tilespmem:s12+$0x6000];
	v2 =	vadd.f32 v39, v2;
	v0 =	vadd.f32 v40, v0  }
0x72: {  	v46 =	vld [tilespmem:s14+$0x4800]  }
0x73: {  	v47 =	vld [tilespmem:s12+$0x6200];
	v2 =	vadd.f32 v41, v2;
	v0 =	vadd.f32 v42, v0  }
0x74: {  	v48 =	vld [tilespmem:s14+$0x4A00]  }
0x75: {  	v49 =	vld [tilespmem:s12+$0x6400];
	v2 =	vadd.f32 v43, v2;
	v0 =	vadd.f32 v44, v0  }
0x76: {  	v50 =	vld [tilespmem:s14+$0x4C00]  }
0x77: {  	v51 =	vld [tilespmem:s12+$0x6600];
	v2 =	vadd.f32 v45, v2;
	v0 =	vadd.f32 v46, v0  }
0x78: {  	v52 =	vld [tilespmem:s14+$0x4E00]  }
0x79: {  	v2 =	vadd.f32 v47, v2;
	v0 =	vadd.f32 v48, v0  }
0x7a: {  	v53 =	vld [tilespmem:s14+$0x5000]  }
0x7b: {  	v2 =	vadd.f32 v49, v2;
	v0 =	vadd.f32 v50, v0  }
0x7c: {  	v54 =	vld [tilespmem:s14+$0x5200]  }
0x7d: {  	v2 =	vadd.f32 v51, v2;
	v0 =	vadd.f32 v52, v0  }
0x7e: {  	v55 =	vld [tilespmem:s14+$0x5400]  }
0x7f: {  	[tilespmem:s12+$0x6800] =	vst v2;
	v0 =	vadd.f32 v53, v0  }
0x80: {  	v2 =	vld [tilespmem:s14+$0x5600]  }
0x81: {  	v0 =	vadd.f32 v54, v0  }
0x82: {  	v56 =	vld [tilespmem:s14+$0x5800]  }
0x83: {  	v0 =	vadd.f32 v55, v0  }
0x84: {  	v57 =	vld [tilespmem:s14+$0x5A00]  }
0x85: {  	v0 =	vadd.f32 v2, v0  }
0x86: {  	v58 =	vld [tilespmem:s14+$0x5C00]  }
0x87: {  	v0 =	vadd.f32 v56, v0  }
0x88: {  	v59 =	vld [tilespmem:s14+$0x5E00]  }
0x89: {  	v0 =	vadd.f32 v57, v0  }
0x8a: {  	v60 =	vld [tilespmem:s14+$0x6000]  }
0x8b: {  	v0 =	vadd.f32 v58, v0  }
0x8c: {  	v61 =	vld [tilespmem:s14+$0x6200]  }
0x8d: {  	v0 =	vadd.f32 v59, v0  }
0x8e: {  	v62 =	vld [tilespmem:s14+$0x6400]  }
0x8f: {  	v0 =	vadd.f32 v60, v0  }
0x90: {  	v63 =	vld [tilespmem:s14+$0x6600]  }
0x91: {  	v0 =	vadd.f32 v61, v0;
	_ =	sdelay $0x1  }
0x92: {  	v0 =	vadd.f32 v62, v0;
	_ =	sdelay $0x1  }
0x93: {  	s11 =	sadd.s32 $0x1, s11;
	v0 =	vadd.f32 v63, v0  }
0x94: {  	p0 =	sne.s32 s11, s6  }
.Ltmp1:
0x95: {  	[tilespmem:s14+$0x6800] =	vst v0;
	(pc) =	sbr.rel @p0 .LBB2_1-.Ltmp1, $4  }
0x96: {  	[hbm4b:s5+s2] =	stream.linear.scatter [tilespmem:s10], [sflag:$0x2], $0x200, $0x38;
	[tilespmem:$0x6A00] =	vst v63  }
0x97: {  	_ =	swait.ge [sflag:s7], $0x200  }
0x98: {  	[sflag:s7] =	ssyncset.done $0x0  }
0x99: {  	[sflag:s7] =	ssyncadd.s32 $0xFFFFFE00  }
0x9a: {  	_ =	sfence.sel $0x180000  }
0x9b: {  	[bflag:$0x0] =	sbarrier.arrive $0xFFFF  }
0x9c: {  	p0 =	sne.s32 s0, $0x0;
	_ =	strace $0x9000004A  }
0x9d: {  	s0 =	sadd.s32 @!p0 $0x100000, s1;
	[bflag:$0x2] =	sbarrier.arrive $0xFFFF  }
0x9e: {  	[sflag:s0] =	ssyncadd.tile.s32 @!p0 $0x1;
	_ =	shalt  }
.Lfunc_end2:
_tile_overlayer_lowered:
.L_overlay_start_2:
0x9f: {  	(tag) =	ssettag $0x2  }
0xa0: {  	s0 =	rddreg [dreg:$0x0];
	s2 =	stileid.u32  }
0xa1: {  	s1 =	rddreg [dreg:$0x1];
	p0 =	sne.s32 s2, $0x0  }
0xa2: {  	s3 =	rddreg [dreg:$0x2];
	[bflag:$0x3] =	sbarrier.arrive $0xFFFF;
	s2 =	simm.s32 @!p0 $0x1C02  }
0xa3: {  	[timem:s3], [sflag:s2] =	dma.local @!p0 [hbm:s0], s1  }
0xa4: {  	s0 =	simm.s32 @!p0 $0x2  }
0xa5: {  	_ =	swait.ge @!p0 [sflag:s0], s1  }
0xa6: {  	s1 =	ssub.s32 @!p0 $0x0, s1;
	[sflag:s0] =	ssyncset.done @!p0 $0x0  }
0xa7: {  	[sflag:s0] =	ssyncadd.s32 @!p0 s1  }
0xa8: {  	[bflag:$0x3] =	sbarrier.arrive $0xFFFF  }
0xa9: {  	_ =	shalt  }

</sc_bundles>
